<compile_context>
chip_gen: v7x
topology: tpu7x:2x2x1
jax: 0.10.2.dev20260603
libtpu: 0.0.44.dev20260713+nightly
codegen_flags: <defaults>
</compile_context>

<pallas_src>
import functools

import jax
import jax.numpy as jnp
from jax import lax
from jax.experimental import pallas as pl
from jax.experimental.pallas import tpu as pltpu, tpu_sc as plsc

N = 10000
E = 320000
D = 128
ALPHA = 0.2

NC = 2
NS = 16
NW = NC * NS
EPT = E // NW
CH = 80
NCHUNK = EPT // CH
NPAD = 10240
SLICE = NPAD // NS

_mesh = plsc.VectorSubcoreMesh(
    core_axis_name="c", subcore_axis_name="s", num_cores=NC, num_subcores=NS)


def _dense_body(x_ref, w_ref, b_ref, a1_ref, a2_ref, h_ref, s1_ref, s2_ref):
    h = lax.dot_general(x_ref[...], w_ref[...], (((1,), (1,)), ((), ())),
                        preferred_element_type=jnp.float32)
    h = h + b_ref[...]
    h_ref[...] = h
    s1_ref[...] = jnp.dot(h, a1_ref[...], preferred_element_type=jnp.float32)
    s2_ref[...] = jnp.dot(h, a2_ref[...], preferred_element_type=jnp.float32)


def _dense(x, w, b2, a1, a2):
    blk = 1000
    grid = N // blk
    return pl.pallas_call(
        _dense_body,
        grid=(grid,),
        in_specs=[
            pl.BlockSpec((blk, D), lambda i: (i, 0)),
            pl.BlockSpec((D, D), lambda i: (0, 0)),
            pl.BlockSpec((1, D), lambda i: (0, 0)),
            pl.BlockSpec((D, 1), lambda i: (0, 0)),
            pl.BlockSpec((D, 1), lambda i: (0, 0)),
        ],
        out_specs=[
            pl.BlockSpec((blk, D), lambda i: (i, 0)),
            pl.BlockSpec((blk, 1), lambda i: (i, 0)),
            pl.BlockSpec((blk, 1), lambda i: (i, 0)),
        ],
        out_shape=[
            jax.ShapeDtypeStruct((N, D), jnp.float32),
            jax.ShapeDtypeStruct((N, 1), jnp.float32),
            jax.ShapeDtypeStruct((N, 1), jnp.float32),
        ],
    )(x, w, b2, a1, a2)


def _edge_body(srcf, dstf, s1h, s2h, p_out, den_out,
               src_v, dst_v, s1_v, s2_v, p_v, den_v, tmp_v, acc_v, shr):
    c = lax.axis_index("c")
    s = lax.axis_index("s")
    wid = c * NS + s
    pltpu.sync_copy(srcf.at[pl.ds(wid * EPT, EPT)], src_v)
    pltpu.sync_copy(dstf.at[pl.ds(wid * EPT, EPT)], dst_v)
    pltpu.sync_copy(s1h, s1_v)
    pltpu.sync_copy(s2h, s2_v)

    zero16 = jnp.zeros((16,), jnp.float32)

    def _zero(i, carry):
        den_v[pl.ds(i * 16, 16)] = zero16
        return carry
    lax.fori_loop(0, NPAD // 16, _zero, 0)

    def _step(i, carry):
        sl = pl.ds(i * 16, 16)
        si = src_v[sl]
        di = dst_v[sl]
        e = plsc.load_gather(s1_v, [si]) + plsc.load_gather(s2_v, [di])
        e = jnp.where(e > 0, e, e * ALPHA)
        p = jnp.exp(e)
        p_v[sl] = p
        plsc.addupdate_scatter(den_v, [di], p)
        return carry
    lax.fori_loop(0, EPT // 16, _step, 0)

    pltpu.sync_copy(p_v, p_out.at[pl.ds(wid * EPT, EPT)])

    pltpu.sync_copy(den_v, shr.at[s])
    plsc.subcore_barrier()
    base = s * SLICE

    def _zacc(i, carry):
        acc_v[pl.ds(i * 16, 16)] = zero16
        return carry
    lax.fori_loop(0, SLICE // 16, _zacc, 0)

    def _red(t, carry):
        pltpu.sync_copy(shr.at[t, pl.ds(base, SLICE)], tmp_v)

        def _add(i, c2):
            sl = pl.ds(i * 16, 16)
            acc_v[sl] = acc_v[sl] + tmp_v[sl]
            return c2
        lax.fori_loop(0, SLICE // 16, _add, 0)
        return carry
    lax.fori_loop(0, NS, _red, 0)
    pltpu.sync_copy(acc_v, den_out.at[pl.ds(c * NPAD + base, SLICE)])


_edge_logits = functools.partial(
    pl.kernel,
    out_type=[
        jax.ShapeDtypeStruct((E,), jnp.float32),
        jax.ShapeDtypeStruct((NC * NPAD,), jnp.float32),
    ],
    mesh=_mesh,
    compiler_params=pltpu.CompilerParams(needs_layout_passes=False),
    scratch_types=[
        pltpu.VMEM((EPT,), jnp.int32),
        pltpu.VMEM((EPT,), jnp.int32),
        pltpu.VMEM((N,), jnp.float32),
        pltpu.VMEM((N,), jnp.float32),
        pltpu.VMEM((EPT,), jnp.float32),
        pltpu.VMEM((NPAD,), jnp.float32),
        pltpu.VMEM((SLICE,), jnp.float32),
        pltpu.VMEM((SLICE,), jnp.float32),
        pltpu.VMEM_SHARED((NS, NPAD), jnp.float32),
    ],
)(_edge_body)


def _agg_body(srcc, dstc, ph, denh, hh, op,
              den_v, tmp_v, p_c, srcv, dstv, rows, wv, zrows, acc, sem):
    c = lax.axis_index("c")
    s = lax.axis_index("s")
    wid = c * NS + s

    pltpu.sync_copy(denh.at[pl.ds(0, NPAD)], den_v)
    pltpu.sync_copy(denh.at[pl.ds(NPAD, NPAD)], tmp_v)

    def _cmb(i, carry):
        sl = pl.ds(i * 16, 16)
        den_v[sl] = den_v[sl] + tmp_v[sl]
        return carry
    lax.fori_loop(0, NPAD // 16, _cmb, 0)

    iotas = [lax.iota(jnp.int32, 16) + 16 * k for k in range(8)]
    zero16 = jnp.zeros((16,), jnp.float32)

    def _zr(r, carry):
        r16 = jnp.full((16,), r, jnp.int32)
        for k in range(8):
            plsc.store_scatter(zrows, [r16, iotas[k]], zero16)
        return carry
    lax.fori_loop(0, 64, _zr, 0)
    base = s * SLICE

    def _zacc(r, carry):
        pltpu.sync_copy(zrows, acc.at[pl.ds(base + r * 64, 64), :])
        return carry
    lax.fori_loop(0, SLICE // 64, _zacc, 0)
    plsc.subcore_barrier()

    def _chunk(j, carry):
        pltpu.sync_copy(srcc.at[pl.ds(wid * EPT + j * CH, CH)], srcv)
        pltpu.sync_copy(dstc.at[pl.ds(wid * EPT + j * CH, CH)], dstv)
        pltpu.sync_copy(ph.at[pl.ds(wid * EPT + j * CH, CH)], p_c)
        pltpu.async_copy(hh.at[dstv], rows, sem).wait()

        def _wg(g, c2):
            sl = pl.ds(g * 16, 16)
            d16 = plsc.load_gather(den_v, [dstv[sl]])
            p16 = p_c[sl]
            wv[sl] = p16 / d16
            return c2
        lax.fori_loop(0, CH // 16, _wg, 0)

        def _scale(e, c2):
            e16 = jnp.full((16,), e, jnp.int32)
            w16 = plsc.load_gather(wv, [e16])
            for k in range(8):
                v = plsc.load_gather(rows, [e16, iotas[k]])
                plsc.store_scatter(rows, [e16, iotas[k]], v * w16)
            return c2
        lax.fori_loop(0, CH, _scale, 0)

        pltpu.sync_copy(rows, acc.at[srcv], add=True)
        return carry
    lax.fori_loop(0, NCHUNK, _chunk, 0)
    plsc.subcore_barrier()

    def _wb(r, carry):
        pltpu.sync_copy(acc.at[pl.ds(base + r * 64, 64), :],
                        op.at[c, pl.ds(base + r * 64, 64), :])
        return carry
    lax.fori_loop(0, SLICE // 64, _wb, 0)


_aggregate = functools.partial(
    pl.kernel,
    out_type=jax.ShapeDtypeStruct((NC, NPAD, D), jnp.float32),
    mesh=_mesh,
    compiler_params=pltpu.CompilerParams(needs_layout_passes=False),
    scratch_types=[
        pltpu.VMEM((NPAD,), jnp.float32),
        pltpu.VMEM((NPAD,), jnp.float32),
        pltpu.VMEM((CH,), jnp.float32),
        pltpu.VMEM((CH,), jnp.int32),
        pltpu.VMEM((CH,), jnp.int32),
        pltpu.VMEM((CH, D), jnp.float32),
        pltpu.VMEM((CH,), jnp.float32),
        pltpu.VMEM((64, D), jnp.float32),
        pltpu.VMEM_SHARED((NPAD, D), jnp.float32),
        pltpu.SemaphoreType.DMA,
    ],
)(_agg_body)


def _fin_body(p0_ref, p1_ref, o_ref):
    x = p0_ref[...] + p1_ref[...]
    o_ref[...] = jnp.where(x > 0, x, jnp.exp(x) - 1.0)


def _finish(p0, p1):
    blk = 1000
    return pl.pallas_call(
        _fin_body,
        grid=(N // blk,),
        in_specs=[
            pl.BlockSpec((blk, D), lambda i: (i, 0)),
            pl.BlockSpec((blk, D), lambda i: (i, 0)),
        ],
        out_specs=pl.BlockSpec((blk, D), lambda i: (i, 0)),
        out_shape=jax.ShapeDtypeStruct((N, D), jnp.float32),
    )(p0, p1)


def kernel(adj, input, fc_W, fc_b, a):
    adj = adj.astype(jnp.int32)
    h, s1, s2 = _dense(input, fc_W, fc_b.reshape(1, D),
                       a[0, :D].reshape(D, 1), a[0, D:].reshape(D, 1))
    src = adj[0]
    dst = adj[1]
    p, den = _edge_logits(src, dst, s1.reshape(N), s2.reshape(N))
    parts = _aggregate(src, dst, p, den, h)
    return _finish(parts[0, :N], parts[1, :N])

# --- scband reference (transcript-rebuilt; emitter-appended) ---
"""Pipeline reference for scband-sp-graph-attention-layer-70342974374588 (READ-ONLY COPY).

The authoritative reference and input builder live on the scoring server;
editing this copy changes nothing except your own understanding.
"""

import jax, jax.numpy as jnp
import numpy as np

N = 10000
E = 320000
D_IN = 128
D_OUT = 128
ALPHA = 0.2


def setup_inputs(seed: int = 0) -> dict:
    key = jax.random.key(seed)
    k1, k2, k3, k4 = jax.random.split(key, 4)
    adj = jax.random.randint(k1, (2, E), 0, N)
    x = jax.random.normal(k2, (N, D_IN), dtype=jnp.float32)
    # fc: Linear(in_features, out_features), xavier-normal-ish init
    fc_W = jax.random.normal(k3, (D_OUT, D_IN), dtype=jnp.float32) * (1.414 * (2.0 / (D_IN + D_OUT)) ** 0.5)
    fc_b = jnp.zeros((D_OUT,), dtype=jnp.float32)
    a = jax.random.normal(k4, (1, 2 * D_OUT), dtype=jnp.float32) * (1.414 * (2.0 / (1 + 2 * D_OUT)) ** 0.5)
    return {"adj": adj, "input": x, "fc_W": fc_W, "fc_b": fc_b, "a": a}


def reference(adj, input, fc_W, fc_b, a):
    src = adj[0, :]
    dst = adj[1, :]
    n = input.shape[0]
    # h = self.fc(input)
    h = input @ fc_W.T + fc_b
    # edge_h = cat(h[src], h[dst]) ; e = leakyrelu(a @ edge_h)
    edge_h = jnp.concatenate([h[src, :], h[dst, :]], axis=1)  # [E, 2*D_OUT]
    e = jax.nn.leaky_relu(edge_h @ a[0], negative_slope=ALPHA)  # [E]
    # dgl edge_softmax: softmax of e over incoming edges of each destination node (dst = adj[1])
    emax = jax.ops.segment_max(e, dst, num_segments=n)
    e_exp = jnp.exp(e - emax[dst])
    denom = jax.ops.segment_sum(e_exp, dst, num_segments=n)
    attention = e_exp / denom[dst]
    # dropout p=0.0 -> identity
    # SparseTensor(row=src, col=dst, value=attention) @ h  => out[src] += attention * h[dst]
    h_prime = jax.ops.segment_sum(attention[:, None] * h[dst, :], src, num_segments=n)
    # concat=True -> elu
    return jax.nn.elu(h_prime)

if __name__ == "__main__":
    import jax
    _d = setup_inputs()
    print(jax.jit(kernel)(*tuple(_d.values())))

</pallas_src>

<mosaic_0001>
#map = affine_map<(d0, d1) -> (0)>
module attributes {stable_mosaic.version = 14 : i64} {
  func.func @_edge_body(%arg0: i32, %arg1: i32, %arg2: memref<320000xi32, #tpu.memory_space<hbm>>, %arg3: memref<320000xi32, #tpu.memory_space<hbm>>, %arg4: memref<10000xf32, #tpu.memory_space<hbm>>, %arg5: memref<10000xf32, #tpu.memory_space<hbm>>, %arg6: memref<320000xf32, #tpu.memory_space<hbm>>, %arg7: memref<20480xf32, #tpu.memory_space<hbm>>, %arg8: memref<10000xi32, #tpu.memory_space<vmem>>, %arg9: memref<10000xi32, #tpu.memory_space<vmem>>, %arg10: memref<10000xf32, #tpu.memory_space<vmem>>, %arg11: memref<10000xf32, #tpu.memory_space<vmem>>, %arg12: memref<10000xf32, #tpu.memory_space<vmem>>, %arg13: memref<10240xf32, #tpu.memory_space<vmem>>, %arg14: memref<640xf32, #tpu.memory_space<vmem>>, %arg15: memref<640xf32, #tpu.memory_space<vmem>>, %arg16: memref<16x10240xf32, #tpu.memory_space<vmem_shared>>) attributes {dimension_semantics = [#tpu.dimension_semantics<core_parallel>, #tpu.dimension_semantics<subcore_parallel>], iteration_bounds = array<i64: 2, 16>, scalar_prefetch = 0 : i64, scratch_operands = 9 : i64, tpu.core_type = #tpu.core_type<sc_vector_subcore>, window_params = [{transform_indices = #map}, {transform_indices = #map}, {transform_indices = #map}, {transform_indices = #map}, {transform_indices = #map}, {transform_indices = #map}]} {
    %mul3A = arith.constant 16 : i32
    %mul3A_0 = arith.muli %arg0, %mul3A : i32
    %add3A = arith.addi %mul3A_0, %arg1 : i32
    %mul3A_1 = arith.constant 10000 : i32
    %mul3A_2 = arith.muli %add3A, %mul3A_1 : i32
    "tpu.region"() ({
      %run_scoped3A = tpu.sem_alloc : memref<!tpu.dma_semaphore, #tpu.memory_space<semaphore_mem>>
      %dma_start3A = tpu.memref_slice %arg2[%mul3A_2] : memref<320000xi32, #tpu.memory_space<hbm>> -> memref<10000xi32, #tpu.memory_space<hbm>>
      %dma_start3A_36 = tpu.memref_slice %arg2[%mul3A_2] : memref<320000xi32, #tpu.memory_space<hbm>> -> memref<10000xi32, #tpu.memory_space<hbm>>
      tpu.enqueue_dma source(%dma_start3A_36 : memref<10000xi32, #tpu.memory_space<hbm>>) target(%arg8 : memref<10000xi32, #tpu.memory_space<vmem>>) target_semaphore(%run_scoped3A : memref<!tpu.dma_semaphore, #tpu.memory_space<semaphore_mem>>)
      %dma_wait3A = tpu.memref_slice %arg2[%mul3A_2] : memref<320000xi32, #tpu.memory_space<hbm>> -> memref<10000xi32, #tpu.memory_space<hbm>>
      %dma_wait3A_37 = tpu.memref_slice %arg2[%mul3A_2] : memref<320000xi32, #tpu.memory_space<hbm>> -> memref<10000xi32, #tpu.memory_space<hbm>>
      tpu.wait_dma2 semaphore(%run_scoped3A : memref<!tpu.dma_semaphore, #tpu.memory_space<semaphore_mem>>) src(%dma_wait3A_37 : memref<10000xi32, #tpu.memory_space<hbm>>) dst(%arg8 : memref<10000xi32, #tpu.memory_space<vmem>>)
      tpu.yield
    }) : () -> ()
    %mul3A_3 = arith.constant 10000 : i32
    %mul3A_4 = arith.muli %add3A, %mul3A_3 : i32
    "tpu.region"() ({
      %run_scoped3A = tpu.sem_alloc : memref<!tpu.dma_semaphore, #tpu.memory_space<semaphore_mem>>
      %dma_start3A = tpu.memref_slice %arg3[%mul3A_4] : memref<320000xi32, #tpu.memory_space<hbm>> -> memref<10000xi32, #tpu.memory_space<hbm>>
      %dma_start3A_36 = tpu.memref_slice %arg3[%mul3A_4] : memref<320000xi32, #tpu.memory_space<hbm>> -> memref<10000xi32, #tpu.memory_space<hbm>>
      tpu.enqueue_dma source(%dma_start3A_36 : memref<10000xi32, #tpu.memory_space<hbm>>) target(%arg9 : memref<10000xi32, #tpu.memory_space<vmem>>) target_semaphore(%run_scoped3A : memref<!tpu.dma_semaphore, #tpu.memory_space<semaphore_mem>>)
      %dma_wait3A = tpu.memref_slice %arg3[%mul3A_4] : memref<320000xi32, #tpu.memory_space<hbm>> -> memref<10000xi32, #tpu.memory_space<hbm>>
      %dma_wait3A_37 = tpu.memref_slice %arg3[%mul3A_4] : memref<320000xi32, #tpu.memory_space<hbm>> -> memref<10000xi32, #tpu.memory_space<hbm>>
      tpu.wait_dma2 semaphore(%run_scoped3A : memref<!tpu.dma_semaphore, #tpu.memory_space<semaphore_mem>>) src(%dma_wait3A_37 : memref<10000xi32, #tpu.memory_space<hbm>>) dst(%arg9 : memref<10000xi32, #tpu.memory_space<vmem>>)
      tpu.yield
    }) : () -> ()
    "tpu.region"() ({
      %run_scoped3A = tpu.sem_alloc : memref<!tpu.dma_semaphore, #tpu.memory_space<semaphore_mem>>
      tpu.enqueue_dma source(%arg4 : memref<10000xf32, #tpu.memory_space<hbm>>) target(%arg10 : memref<10000xf32, #tpu.memory_space<vmem>>) target_semaphore(%run_scoped3A : memref<!tpu.dma_semaphore, #tpu.memory_space<semaphore_mem>>)
      tpu.wait_dma2 semaphore(%run_scoped3A : memref<!tpu.dma_semaphore, #tpu.memory_space<semaphore_mem>>) src(%arg4 : memref<10000xf32, #tpu.memory_space<hbm>>) dst(%arg10 : memref<10000xf32, #tpu.memory_space<vmem>>)
      tpu.yield
    }) : () -> ()
    "tpu.region"() ({
      %run_scoped3A = tpu.sem_alloc : memref<!tpu.dma_semaphore, #tpu.memory_space<semaphore_mem>>
      tpu.enqueue_dma source(%arg5 : memref<10000xf32, #tpu.memory_space<hbm>>) target(%arg11 : memref<10000xf32, #tpu.memory_space<vmem>>) target_semaphore(%run_scoped3A : memref<!tpu.dma_semaphore, #tpu.memory_space<semaphore_mem>>)
      tpu.wait_dma2 semaphore(%run_scoped3A : memref<!tpu.dma_semaphore, #tpu.memory_space<semaphore_mem>>) src(%arg5 : memref<10000xf32, #tpu.memory_space<hbm>>) dst(%arg11 : memref<10000xf32, #tpu.memory_space<vmem>>)
      tpu.yield
    }) : () -> ()
    %broadcast_in_dim3A = arith.constant 0.000000e+00 : f32
    %broadcast_in_dim3A_5 = vector.broadcast %broadcast_in_dim3A : f32 to vector<16xf32>
    %scan3A = arith.constant 0 : i32
    %scan3A_6 = arith.constant 0 : i32
    %scan3A_7 = arith.constant 640 : i32
    %scan3A_8 = arith.addi %scan3A_6, %scan3A_7 : i32
    %scan3A_9 = arith.constant 1 : i32
    scf.for %scan3A_36 = %scan3A_6 to %scan3A_8 step %scan3A_9  : i32 {
      %mul3A_37 = arith.constant 16 : i32
      %mul3A_38 = arith.muli %scan3A_36, %mul3A_37 : i32
      %swap3A = arith.index_cast %mul3A_38 : i32 to index
      %swap3A_39 = tpu.vector_load %arg13[%swap3A] {strides = array<i32>} : memref<10240xf32, #tpu.memory_space<vmem>>, vector<16xf32>,
      tpu.vector_store %arg13[%swap3A], %broadcast_in_dim3A_5 {strides = array<i32>} : memref<10240xf32, #tpu.memory_space<vmem>>, vector<16xf32>,
    }
    %scan3A_10 = arith.constant 640 : i32
    %scan3A_11 = arith.constant 0 : i32
    %scan3A_12 = arith.constant 0 : i32
    %scan3A_13 = arith.constant 625 : i32
    %scan3A_14 = arith.addi %scan3A_12, %scan3A_13 : i32
    %scan3A_15 = arith.constant 1 : i32
    scf.for %scan3A_36 = %scan3A_12 to %scan3A_14 step %scan3A_15  : i32 {
      %mul3A_37 = arith.constant 16 : i32
      %mul3A_38 = arith.muli %scan3A_36, %mul3A_37 : i32
      %get3A = arith.index_cast %mul3A_38 : i32 to index
      %get3A_39 = tpu.vector_load %arg8[%get3A] {strides = array<i32>} : memref<10000xi32, #tpu.memory_space<vmem>>, vector<16xi32>,
      %get3A_40 = arith.index_cast %mul3A_38 : i32 to index
      %get3A_41 = tpu.vector_load %arg9[%get3A_40] {strides = array<i32>} : memref<10000xi32, #tpu.memory_space<vmem>>, vector<16xi32>,
      %gather3A = tpu.vector_load_idx %arg10[%get3A_39] : memref<10000xf32, #tpu.memory_space<vmem>>[vector<16xi32>], vector<16xf32>,
      %gather3A_42 = tpu.vector_load_idx %arg11[%get3A_41] : memref<10000xf32, #tpu.memory_space<vmem>>[vector<16xi32>], vector<16xf32>,
      %add3A_43 = arith.addf %gather3A, %gather3A_42 : vector<16xf32>
      %gt3A = arith.constant 0.000000e+00 : f32
      %gt3A_44 = vector.broadcast %gt3A : f32 to vector<16xf32>
      %gt3A_45 = arith.cmpf ogt, %add3A_43, %gt3A_44 : vector<16xf32>
      %mul3A_46 = arith.constant 2.000000e-01 : f32
      %mul3A_47 = vector.broadcast %mul3A_46 : f32 to vector<16xf32>
      %mul3A_48 = arith.mulf %add3A_43, %mul3A_47 : vector<16xf32>
      %select_n3A = arith.select %gt3A_45, %add3A_43, %mul3A_48 : vector<16xi1>, vector<16xf32>
      %exp3A = math.exp %select_n3A : vector<16xf32>
      %swap3A = arith.index_cast %mul3A_38 : i32 to index
      %swap3A_49 = tpu.vector_load %arg12[%swap3A] {strides = array<i32>} : memref<10000xf32, #tpu.memory_space<vmem>>, vector<16xf32>,
      tpu.vector_store %arg12[%swap3A], %exp3A {strides = array<i32>} : memref<10000xf32, #tpu.memory_space<vmem>>, vector<16xf32>,
      tpu.vector_store_idx %arg13[%get3A_41], %exp3A {add = true} : memref<10240xf32, #tpu.memory_space<vmem>>[vector<16xi32>], vector<16xf32>,
    }
    %scan3A_16 = arith.constant 625 : i32
    %mul3A_17 = arith.constant 10000 : i32
    %mul3A_18 = arith.muli %add3A, %mul3A_17 : i32
    "tpu.region"() ({
      %run_scoped3A = tpu.sem_alloc : memref<!tpu.dma_semaphore, #tpu.memory_space<semaphore_mem>>
      %dma_start3A = tpu.memref_slice %arg6[%mul3A_18] : memref<320000xf32, #tpu.memory_space<hbm>> -> memref<10000xf32, #tpu.memory_space<hbm>>
      %dma_start3A_36 = tpu.memref_slice %arg6[%mul3A_18] : memref<320000xf32, #tpu.memory_space<hbm>> -> memref<10000xf32, #tpu.memory_space<hbm>>
      tpu.enqueue_dma source(%arg12 : memref<10000xf32, #tpu.memory_space<vmem>>) target(%dma_start3A_36 : memref<10000xf32, #tpu.memory_space<hbm>>) target_semaphore(%run_scoped3A : memref<!tpu.dma_semaphore, #tpu.memory_space<semaphore_mem>>)
      %dma_wait3A = tpu.memref_slice %arg6[%mul3A_18] : memref<320000xf32, #tpu.memory_space<hbm>> -> memref<10000xf32, #tpu.memory_space<hbm>>
      %dma_wait3A_37 = tpu.memref_slice %arg6[%mul3A_18] : memref<320000xf32, #tpu.memory_space<hbm>> -> memref<10000xf32, #tpu.memory_space<hbm>>
      tpu.wait_dma2 semaphore(%run_scoped3A : memref<!tpu.dma_semaphore, #tpu.memory_space<semaphore_mem>>) src(%arg12 : memref<10000xf32, #tpu.memory_space<vmem>>) dst(%dma_wait3A_37 : memref<10000xf32, #tpu.memory_space<hbm>>)
      tpu.yield
    }) : () -> ()
    "tpu.region"() ({
      %run_scoped3A = tpu.sem_alloc : memref<!tpu.dma_semaphore, #tpu.memory_space<semaphore_mem>>
      %dma_start3A = arith.constant 0 : i32
      %dma_start3A_36 = tpu.memref_slice %arg16[%arg1, %dma_start3A] : memref<16x10240xf32, #tpu.memory_space<vmem_shared>> -> memref<1x10240xf32, #tpu.memory_space<vmem_shared>>
      %dma_start3A_37 = tpu.memref_squeeze %dma_start3A_36 : memref<1x10240xf32, #tpu.memory_space<vmem_shared>> -> memref<10240xf32, #tpu.memory_space<vmem_shared>>
      %dma_start3A_38 = arith.constant 0 : i32
      %dma_start3A_39 = tpu.memref_slice %arg16[%arg1, %dma_start3A_38] : memref<16x10240xf32, #tpu.memory_space<vmem_shared>> -> memref<1x10240xf32, #tpu.memory_space<vmem_shared>>
      %dma_start3A_40 = tpu.memref_squeeze %dma_start3A_39 : memref<1x10240xf32, #tpu.memory_space<vmem_shared>> -> memref<10240xf32, #tpu.memory_space<vmem_shared>>
      tpu.enqueue_dma source(%arg13 : memref<10240xf32, #tpu.memory_space<vmem>>) target(%dma_start3A_40 : memref<10240xf32, #tpu.memory_space<vmem_shared>>) target_semaphore(%run_scoped3A : memref<!tpu.dma_semaphore, #tpu.memory_space<semaphore_mem>>)
      %dma_wait3A = arith.constant 0 : i32
      %dma_wait3A_41 = tpu.memref_slice %arg16[%arg1, %dma_wait3A] : memref<16x10240xf32, #tpu.memory_space<vmem_shared>> -> memref<1x10240xf32, #tpu.memory_space<vmem_shared>>
      %dma_wait3A_42 = tpu.memref_squeeze %dma_wait3A_41 : memref<1x10240xf32, #tpu.memory_space<vmem_shared>> -> memref<10240xf32, #tpu.memory_space<vmem_shared>>
      %dma_wait3A_43 = arith.constant 0 : i32
      %dma_wait3A_44 = tpu.memref_slice %arg16[%arg1, %dma_wait3A_43] : memref<16x10240xf32, #tpu.memory_space<vmem_shared>> -> memref<1x10240xf32, #tpu.memory_space<vmem_shared>>
      %dma_wait3A_45 = tpu.memref_squeeze %dma_wait3A_44 : memref<1x10240xf32, #tpu.memory_space<vmem_shared>> -> memref<10240xf32, #tpu.memory_space<vmem_shared>>
      tpu.wait_dma2 semaphore(%run_scoped3A : memref<!tpu.dma_semaphore, #tpu.memory_space<semaphore_mem>>) src(%arg13 : memref<10240xf32, #tpu.memory_space<vmem>>) dst(%dma_wait3A_45 : memref<10240xf32, #tpu.memory_space<vmem_shared>>)
      tpu.yield
    }) : () -> ()
    %barrier3A = arith.constant 0 : index
    tpu.barrier barrier_id(%barrier3A)
    %mul3A_19 = arith.constant 640 : i32
    %mul3A_20 = arith.muli %arg1, %mul3A_19 : i32
    %scan3A_21 = arith.constant 0 : i32
    %scan3A_22 = arith.constant 0 : i32
    %scan3A_23 = arith.constant 40 : i32
    %scan3A_24 = arith.addi %scan3A_22, %scan3A_23 : i32
    %scan3A_25 = arith.constant 1 : i32
    scf.for %scan3A_36 = %scan3A_22 to %scan3A_24 step %scan3A_25  : i32 {
      %mul3A_37 = arith.constant 16 : i32
      %mul3A_38 = arith.muli %scan3A_36, %mul3A_37 : i32
      %swap3A = arith.index_cast %mul3A_38 : i32 to index
      %swap3A_39 = tpu.vector_load %arg15[%swap3A] {strides = array<i32>} : memref<640xf32, #tpu.memory_space<vmem>>, vector<16xf32>,
      tpu.vector_store %arg15[%swap3A], %broadcast_in_dim3A_5 {strides = array<i32>} : memref<640xf32, #tpu.memory_space<vmem>>, vector<16xf32>,
    }
    %scan3A_26 = arith.constant 40 : i32
    %scan3A_27 = arith.constant 0 : i32
    %scan3A_28 = arith.constant 0 : i32
    %scan3A_29 = arith.constant 16 : i32
    %scan3A_30 = arith.addi %scan3A_28, %scan3A_29 : i32
    %scan3A_31 = arith.constant 1 : i32
    scf.for %scan3A_36 = %scan3A_28 to %scan3A_30 step %scan3A_31  : i32 {
      "tpu.region"() ({
        %run_scoped3A = tpu.sem_alloc : memref<!tpu.dma_semaphore, #tpu.memory_space<semaphore_mem>>
        %dma_start3A = tpu.memref_slice %arg16[%scan3A_36, %mul3A_20] : memref<16x10240xf32, #tpu.memory_space<vmem_shared>> -> memref<1x640xf32, #tpu.memory_space<vmem_shared>>
        %dma_start3A_43 = tpu.memref_squeeze %dma_start3A : memref<1x640xf32, #tpu.memory_space<vmem_shared>> -> memref<640xf32, #tpu.memory_space<vmem_shared>>
        %dma_start3A_44 = tpu.memref_slice %arg16[%scan3A_36, %mul3A_20] : memref<16x10240xf32, #tpu.memory_space<vmem_shared>> -> memref<1x640xf32, #tpu.memory_space<vmem_shared>>
        %dma_start3A_45 = tpu.memref_squeeze %dma_start3A_44 : memref<1x640xf32, #tpu.memory_space<vmem_shared>> -> memref<640xf32, #tpu.memory_space<vmem_shared>>
        tpu.enqueue_dma source(%dma_start3A_45 : memref<640xf32, #tpu.memory_space<vmem_shared>>) target(%arg14 : memref<640xf32, #tpu.memory_space<vmem>>) target_semaphore(%run_scoped3A : memref<!tpu.dma_semaphore, #tpu.memory_space<semaphore_mem>>)
        %dma_wait3A = tpu.memref_slice %arg16[%scan3A_36, %mul3A_20] : memref<16x10240xf32, #tpu.memory_space<vmem_shared>> -> memref<1x640xf32, #tpu.memory_space<vmem_shared>>
        %dma_wait3A_46 = tpu.memref_squeeze %dma_wait3A : memref<1x640xf32, #tpu.memory_space<vmem_shared>> -> memref<640xf32, #tpu.memory_space<vmem_shared>>
        %dma_wait3A_47 = tpu.memref_slice %arg16[%scan3A_36, %mul3A_20] : memref<16x10240xf32, #tpu.memory_space<vmem_shared>> -> memref<1x640xf32, #tpu.memory_space<vmem_shared>>
        %dma_wait3A_48 = tpu.memref_squeeze %dma_wait3A_47 : memref<1x640xf32, #tpu.memory_space<vmem_shared>> -> memref<640xf32, #tpu.memory_space<vmem_shared>>
        tpu.wait_dma2 semaphore(%run_scoped3A : memref<!tpu.dma_semaphore, #tpu.memory_space<semaphore_mem>>) src(%dma_wait3A_48 : memref<640xf32, #tpu.memory_space<vmem_shared>>) dst(%arg14 : memref<640xf32, #tpu.memory_space<vmem>>)
        tpu.yield
      }) : () -> ()
      %scan3A_37 = arith.constant 0 : i32
      %scan3A_38 = arith.constant 0 : i32
      %scan3A_39 = arith.constant 40 : i32
      %scan3A_40 = arith.addi %scan3A_38, %scan3A_39 : i32
      %scan3A_41 = arith.constant 1 : i32
      scf.for %scan3A_43 = %scan3A_38 to %scan3A_40 step %scan3A_41  : i32 {
        %mul3A_44 = arith.constant 16 : i32
        %mul3A_45 = arith.muli %scan3A_43, %mul3A_44 : i32
        %get3A = arith.index_cast %mul3A_45 : i32 to index
        %get3A_46 = tpu.vector_load %arg15[%get3A] {strides = array<i32>} : memref<640xf32, #tpu.memory_space<vmem>>, vector<16xf32>,
        %get3A_47 = arith.index_cast %mul3A_45 : i32 to index
        %get3A_48 = tpu.vector_load %arg14[%get3A_47] {strides = array<i32>} : memref<640xf32, #tpu.memory_space<vmem>>, vector<16xf32>,
        %add3A_49 = arith.addf %get3A_46, %get3A_48 : vector<16xf32>
        %swap3A = arith.index_cast %mul3A_45 : i32 to index
        %swap3A_50 = tpu.vector_load %arg15[%swap3A] {strides = array<i32>} : memref<640xf32, #tpu.memory_space<vmem>>, vector<16xf32>,
        tpu.vector_store %arg15[%swap3A], %add3A_49 {strides = array<i32>} : memref<640xf32, #tpu.memory_space<vmem>>, vector<16xf32>,
      }
      %scan3A_42 = arith.constant 40 : i32
    }
    %scan3A_32 = arith.constant 16 : i32
    %mul3A_33 = arith.constant 10240 : i32
    %mul3A_34 = arith.muli %arg0, %mul3A_33 : i32
    %add3A_35 = arith.addi %mul3A_34, %mul3A_20 : i32
    "tpu.region"() ({
      %run_scoped3A = tpu.sem_alloc : memref<!tpu.dma_semaphore, #tpu.memory_space<semaphore_mem>>
      %dma_start3A = tpu.memref_slice %arg7[%add3A_35] : memref<20480xf32, #tpu.memory_space<hbm>> -> memref<640xf32, #tpu.memory_space<hbm>>
      %dma_start3A_36 = tpu.memref_slice %arg7[%add3A_35] : memref<20480xf32, #tpu.memory_space<hbm>> -> memref<640xf32, #tpu.memory_space<hbm>>
      tpu.enqueue_dma source(%arg15 : memref<640xf32, #tpu.memory_space<vmem>>) target(%dma_start3A_36 : memref<640xf32, #tpu.memory_space<hbm>>) target_semaphore(%run_scoped3A : memref<!tpu.dma_semaphore, #tpu.memory_space<semaphore_mem>>)
      %dma_wait3A = tpu.memref_slice %arg7[%add3A_35] : memref<20480xf32, #tpu.memory_space<hbm>> -> memref<640xf32, #tpu.memory_space<hbm>>
      %dma_wait3A_37 = tpu.memref_slice %arg7[%add3A_35] : memref<20480xf32, #tpu.memory_space<hbm>> -> memref<640xf32, #tpu.memory_space<hbm>>
      tpu.wait_dma2 semaphore(%run_scoped3A : memref<!tpu.dma_semaphore, #tpu.memory_space<semaphore_mem>>) src(%arg15 : memref<640xf32, #tpu.memory_space<vmem>>) dst(%dma_wait3A_37 : memref<640xf32, #tpu.memory_space<hbm>>)
      tpu.yield
    }) : () -> ()
    return
  }
}

#map = affine_map<(d0, d1) -> (0)>
#map1 = affine_map<(d0, d1) -> (0, 0)>
#map2 = affine_map<(d0, d1) -> (0, 0, 0)>
module attributes {stable_mosaic.version = 14 : i64} {
  func.func @_agg_body(%arg0: i32, %arg1: i32, %arg2: memref<320000xi32, #tpu.memory_space<hbm>>, %arg3: memref<320000xi32, #tpu.memory_space<hbm>>, %arg4: memref<320000xf32, #tpu.memory_space<hbm>>, %arg5: memref<20480xf32, #tpu.memory_space<hbm>>, %arg6: memref<10000x128xf32, #tpu.memory_space<hbm>>, %arg7: memref<2x10240x128xf32, #tpu.memory_space<hbm>>, %arg8: memref<10240xf32, #tpu.memory_space<vmem>>, %arg9: memref<10240xf32, #tpu.memory_space<vmem>>, %arg10: memref<80xf32, #tpu.memory_space<vmem>>, %arg11: memref<80xi32, #tpu.memory_space<vmem>>, %arg12: memref<80xi32, #tpu.memory_space<vmem>>, %arg13: memref<80x128xf32, #tpu.memory_space<vmem>>, %arg14: memref<80xf32, #tpu.memory_space<vmem>>, %arg15: memref<64x128xf32, #tpu.memory_space<vmem>>, %arg16: memref<10240x128xf32, #tpu.memory_space<vmem_shared>>, %arg17: memref<!tpu.dma_semaphore, #tpu.memory_space<semaphore_mem>>) attributes {dimension_semantics = [#tpu.dimension_semantics<core_parallel>, #tpu.dimension_semantics<subcore_parallel>], iteration_bounds = array<i64: 2, 16>, scalar_prefetch = 0 : i64, scratch_operands = 10 : i64, tpu.core_type = #tpu.core_type<sc_vector_subcore>, window_params = [{transform_indices = #map}, {transform_indices = #map}, {transform_indices = #map}, {transform_indices = #map}, {transform_indices = #map1}, {transform_indices = #map2}]} {
    %mul3A = arith.constant 16 : i32
    %mul3A_0 = arith.muli %arg0, %mul3A : i32
    %add3A = arith.addi %mul3A_0, %arg1 : i32
    "tpu.region"() ({
      %run_scoped3A = tpu.sem_alloc : memref<!tpu.dma_semaphore, #tpu.memory_space<semaphore_mem>>
      %dma_start3A = arith.constant 0 : i32
      %dma_start3A_65 = tpu.memref_slice %arg5[%dma_start3A] : memref<20480xf32, #tpu.memory_space<hbm>> -> memref<10240xf32, #tpu.memory_space<hbm>>
      %dma_start3A_66 = arith.constant 0 : i32
      %dma_start3A_67 = tpu.memref_slice %arg5[%dma_start3A_66] : memref<20480xf32, #tpu.memory_space<hbm>> -> memref<10240xf32, #tpu.memory_space<hbm>>
      tpu.enqueue_dma source(%dma_start3A_67 : memref<10240xf32, #tpu.memory_space<hbm>>) target(%arg8 : memref<10240xf32, #tpu.memory_space<vmem>>) target_semaphore(%run_scoped3A : memref<!tpu.dma_semaphore, #tpu.memory_space<semaphore_mem>>)
      %dma_wait3A = arith.constant 0 : i32
      %dma_wait3A_68 = tpu.memref_slice %arg5[%dma_wait3A] : memref<20480xf32, #tpu.memory_space<hbm>> -> memref<10240xf32, #tpu.memory_space<hbm>>
      %dma_wait3A_69 = arith.constant 0 : i32
      %dma_wait3A_70 = tpu.memref_slice %arg5[%dma_wait3A_69] : memref<20480xf32, #tpu.memory_space<hbm>> -> memref<10240xf32, #tpu.memory_space<hbm>>
      tpu.wait_dma2 semaphore(%run_scoped3A : memref<!tpu.dma_semaphore, #tpu.memory_space<semaphore_mem>>) src(%dma_wait3A_70 : memref<10240xf32, #tpu.memory_space<hbm>>) dst(%arg8 : memref<10240xf32, #tpu.memory_space<vmem>>)
      tpu.yield
    }) : () -> ()
    "tpu.region"() ({
      %run_scoped3A = tpu.sem_alloc : memref<!tpu.dma_semaphore, #tpu.memory_space<semaphore_mem>>
      %dma_start3A = arith.constant 10240 : i32
      %dma_start3A_65 = tpu.memref_slice %arg5[%dma_start3A] : memref<20480xf32, #tpu.memory_space<hbm>> -> memref<10240xf32, #tpu.memory_space<hbm>>
      %dma_start3A_66 = arith.constant 10240 : i32
      %dma_start3A_67 = tpu.memref_slice %arg5[%dma_start3A_66] : memref<20480xf32, #tpu.memory_space<hbm>> -> memref<10240xf32, #tpu.memory_space<hbm>>
      tpu.enqueue_dma source(%dma_start3A_67 : memref<10240xf32, #tpu.memory_space<hbm>>) target(%arg9 : memref<10240xf32, #tpu.memory_space<vmem>>) target_semaphore(%run_scoped3A : memref<!tpu.dma_semaphore, #tpu.memory_space<semaphore_mem>>)
      %dma_wait3A = arith.constant 10240 : i32
      %dma_wait3A_68 = tpu.memref_slice %arg5[%dma_wait3A] : memref<20480xf32, #tpu.memory_space<hbm>> -> memref<10240xf32, #tpu.memory_space<hbm>>
      %dma_wait3A_69 = arith.constant 10240 : i32
      %dma_wait3A_70 = tpu.memref_slice %arg5[%dma_wait3A_69] : memref<20480xf32, #tpu.memory_space<hbm>> -> memref<10240xf32, #tpu.memory_space<hbm>>
      tpu.wait_dma2 semaphore(%run_scoped3A : memref<!tpu.dma_semaphore, #tpu.memory_space<semaphore_mem>>) src(%dma_wait3A_70 : memref<10240xf32, #tpu.memory_space<hbm>>) dst(%arg9 : memref<10240xf32, #tpu.memory_space<vmem>>)
      tpu.yield
    }) : () -> ()
    %scan3A = arith.constant 0 : i32
    %scan3A_1 = arith.constant 0 : i32
    %scan3A_2 = arith.constant 640 : i32
    %scan3A_3 = arith.addi %scan3A_1, %scan3A_2 : i32
    %scan3A_4 = arith.constant 1 : i32
    scf.for %scan3A_65 = %scan3A_1 to %scan3A_3 step %scan3A_4  : i32 {
      %mul3A_66 = arith.constant 16 : i32
      %mul3A_67 = arith.muli %scan3A_65, %mul3A_66 : i32
      %get3A = arith.index_cast %mul3A_67 : i32 to index
      %get3A_68 = tpu.vector_load %arg8[%get3A] {strides = array<i32>} : memref<10240xf32, #tpu.memory_space<vmem>>, vector<16xf32>,
      %get3A_69 = arith.index_cast %mul3A_67 : i32 to index
      %get3A_70 = tpu.vector_load %arg9[%get3A_69] {strides = array<i32>} : memref<10240xf32, #tpu.memory_space<vmem>>, vector<16xf32>,
      %add3A_71 = arith.addf %get3A_68, %get3A_70 : vector<16xf32>
      %swap3A = arith.index_cast %mul3A_67 : i32 to index
      %swap3A_72 = tpu.vector_load %arg8[%swap3A] {strides = array<i32>} : memref<10240xf32, #tpu.memory_space<vmem>>, vector<16xf32>,
      tpu.vector_store %arg8[%swap3A], %add3A_71 {strides = array<i32>} : memref<10240xf32, #tpu.memory_space<vmem>>, vector<16xf32>,
    }
    %scan3A_5 = arith.constant 640 : i32
    %iota3A = tpu.iota {dimensions = array<i32: 0>} : vector<16xi32>
    %add3A_6 = arith.constant 0 : i32
    %add3A_7 = vector.broadcast %add3A_6 : i32 to vector<16xi32>
    %add3A_8 = arith.addi %iota3A, %add3A_7 : vector<16xi32>
    %iota3A_9 = tpu.iota {dimensions = array<i32: 0>} : vector<16xi32>
    %add3A_10 = arith.constant 16 : i32
    %add3A_11 = vector.broadcast %add3A_10 : i32 to vector<16xi32>
    %add3A_12 = arith.addi %iota3A_9, %add3A_11 : vector<16xi32>
    %iota3A_13 = tpu.iota {dimensions = array<i32: 0>} : vector<16xi32>
    %add3A_14 = arith.constant 32 : i32
    %add3A_15 = vector.broadcast %add3A_14 : i32 to vector<16xi32>
    %add3A_16 = arith.addi %iota3A_13, %add3A_15 : vector<16xi32>
    %iota3A_17 = tpu.iota {dimensions = array<i32: 0>} : vector<16xi32>
    %add3A_18 = arith.constant 48 : i32
    %add3A_19 = vector.broadcast %add3A_18 : i32 to vector<16xi32>
    %add3A_20 = arith.addi %iota3A_17, %add3A_19 : vector<16xi32>
    %iota3A_21 = tpu.iota {dimensions = array<i32: 0>} : vector<16xi32>
    %add3A_22 = arith.constant 64 : i32
    %add3A_23 = vector.broadcast %add3A_22 : i32 to vector<16xi32>
    %add3A_24 = arith.addi %iota3A_21, %add3A_23 : vector<16xi32>
    %iota3A_25 = tpu.iota {dimensions = array<i32: 0>} : vector<16xi32>
    %add3A_26 = arith.constant 80 : i32
    %add3A_27 = vector.broadcast %add3A_26 : i32 to vector<16xi32>
    %add3A_28 = arith.addi %iota3A_25, %add3A_27 : vector<16xi32>
    %iota3A_29 = tpu.iota {dimensions = array<i32: 0>} : vector<16xi32>
    %add3A_30 = arith.constant 96 : i32
    %add3A_31 = vector.broadcast %add3A_30 : i32 to vector<16xi32>
    %add3A_32 = arith.addi %iota3A_29, %add3A_31 : vector<16xi32>
    %iota3A_33 = tpu.iota {dimensions = array<i32: 0>} : vector<16xi32>
    %add3A_34 = arith.constant 112 : i32
    %add3A_35 = vector.broadcast %add3A_34 : i32 to vector<16xi32>
    %add3A_36 = arith.addi %iota3A_33, %add3A_35 : vector<16xi32>
    %broadcast_in_dim3A = arith.constant 0.000000e+00 : f32
    %broadcast_in_dim3A_37 = vector.broadcast %broadcast_in_dim3A : f32 to vector<16xf32>
    %scan3A_38 = arith.constant 0 : i32
    %scan3A_39 = arith.constant 0 : i32
    %scan3A_40 = arith.constant 64 : i32
    %scan3A_41 = arith.addi %scan3A_39, %scan3A_40 : i32
    %scan3A_42 = arith.constant 1 : i32
    scf.for %scan3A_65 = %scan3A_39 to %scan3A_41 step %scan3A_42  : i32 {
      %broadcast_in_dim3A_66 = vector.broadcast %scan3A_65 : i32 to vector<16xi32>
      tpu.vector_store_idx %arg15[%broadcast_in_dim3A_66, %add3A_8], %broadcast_in_dim3A_37 : memref<64x128xf32, #tpu.memory_space<vmem>>[vector<16xi32>, vector<16xi32>], vector<16xf32>,
      tpu.vector_store_idx %arg15[%broadcast_in_dim3A_66, %add3A_12], %broadcast_in_dim3A_37 : memref<64x128xf32, #tpu.memory_space<vmem>>[vector<16xi32>, vector<16xi32>], vector<16xf32>,
      tpu.vector_store_idx %arg15[%broadcast_in_dim3A_66, %add3A_16], %broadcast_in_dim3A_37 : memref<64x128xf32, #tpu.memory_space<vmem>>[vector<16xi32>, vector<16xi32>], vector<16xf32>,
      tpu.vector_store_idx %arg15[%broadcast_in_dim3A_66, %add3A_20], %broadcast_in_dim3A_37 : memref<64x128xf32, #tpu.memory_space<vmem>>[vector<16xi32>, vector<16xi32>], vector<16xf32>,
      tpu.vector_store_idx %arg15[%broadcast_in_dim3A_66, %add3A_24], %broadcast_in_dim3A_37 : memref<64x128xf32, #tpu.memory_space<vmem>>[vector<16xi32>, vector<16xi32>], vector<16xf32>,
      tpu.vector_store_idx %arg15[%broadcast_in_dim3A_66, %add3A_28], %broadcast_in_dim3A_37 : memref<64x128xf32, #tpu.memory_space<vmem>>[vector<16xi32>, vector<16xi32>], vector<16xf32>,
      tpu.vector_store_idx %arg15[%broadcast_in_dim3A_66, %add3A_32], %broadcast_in_dim3A_37 : memref<64x128xf32, #tpu.memory_space<vmem>>[vector<16xi32>, vector<16xi32>], vector<16xf32>,
      tpu.vector_store_idx %arg15[%broadcast_in_dim3A_66, %add3A_36], %broadcast_in_dim3A_37 : memref<64x128xf32, #tpu.memory_space<vmem>>[vector<16xi32>, vector<16xi32>], vector<16xf32>,
    }
    %scan3A_43 = arith.constant 64 : i32
    %mul3A_44 = arith.constant 640 : i32
    %mul3A_45 = arith.muli %arg1, %mul3A_44 : i32
    %scan3A_46 = arith.constant 0 : i32
    %scan3A_47 = arith.constant 0 : i32
    %scan3A_48 = arith.constant 10 : i32
    %scan3A_49 = arith.addi %scan3A_47, %scan3A_48 : i32
    %scan3A_50 = arith.constant 1 : i32
    scf.for %scan3A_65 = %scan3A_47 to %scan3A_49 step %scan3A_50  : i32 {
      %mul3A_66 = arith.constant 64 : i32
      %mul3A_67 = arith.muli %scan3A_65, %mul3A_66 : i32
      %add3A_68 = arith.addi %mul3A_45, %mul3A_67 : i32
      "tpu.region"() ({
        %run_scoped3A = tpu.sem_alloc : memref<!tpu.dma_semaphore, #tpu.memory_space<semaphore_mem>>
        %dma_start3A = arith.constant 0 : i32
        %dma_start3A_69 = tpu.memref_slice %arg16[%add3A_68, %dma_start3A] : memref<10240x128xf32, #tpu.memory_space<vmem_shared>> -> memref<64x128xf32, #tpu.memory_space<vmem_shared>>
        %dma_start3A_70 = arith.constant 0 : i32
        %dma_start3A_71 = tpu.memref_slice %arg16[%add3A_68, %dma_start3A_70] : memref<10240x128xf32, #tpu.memory_space<vmem_shared>> -> memref<64x128xf32, #tpu.memory_space<vmem_shared>>
        tpu.enqueue_dma source(%arg15 : memref<64x128xf32, #tpu.memory_space<vmem>>) target(%dma_start3A_71 : memref<64x128xf32, #tpu.memory_space<vmem_shared>>) target_semaphore(%run_scoped3A : memref<!tpu.dma_semaphore, #tpu.memory_space<semaphore_mem>>)
        %dma_wait3A = arith.constant 0 : i32
        %dma_wait3A_72 = tpu.memref_slice %arg16[%add3A_68, %dma_wait3A] : memref<10240x128xf32, #tpu.memory_space<vmem_shared>> -> memref<64x128xf32, #tpu.memory_space<vmem_shared>>
        %dma_wait3A_73 = arith.constant 0 : i32
        %dma_wait3A_74 = tpu.memref_slice %arg16[%add3A_68, %dma_wait3A_73] : memref<10240x128xf32, #tpu.memory_space<vmem_shared>> -> memref<64x128xf32, #tpu.memory_space<vmem_shared>>
        tpu.wait_dma2 semaphore(%run_scoped3A : memref<!tpu.dma_semaphore, #tpu.memory_space<semaphore_mem>>) src(%arg15 : memref<64x128xf32, #tpu.memory_space<vmem>>) dst(%dma_wait3A_74 : memref<64x128xf32, #tpu.memory_space<vmem_shared>>)
        tpu.yield
      }) : () -> ()
    }
    %scan3A_51 = arith.constant 10 : i32
    %barrier3A = arith.constant 0 : index
    tpu.barrier barrier_id(%barrier3A)
    %scan3A_52 = arith.constant 0 : i32
    %scan3A_53 = arith.constant 0 : i32
    %scan3A_54 = arith.constant 125 : i32
    %scan3A_55 = arith.addi %scan3A_53, %scan3A_54 : i32
    %scan3A_56 = arith.constant 1 : i32
    scf.for %scan3A_65 = %scan3A_53 to %scan3A_55 step %scan3A_56  : i32 {
      %mul3A_66 = arith.constant 10000 : i32
      %mul3A_67 = arith.muli %add3A, %mul3A_66 : i32
      %mul3A_68 = arith.constant 80 : i32
      %mul3A_69 = arith.muli %scan3A_65, %mul3A_68 : i32
      %add3A_70 = arith.addi %mul3A_67, %mul3A_69 : i32
      "tpu.region"() ({
        %run_scoped3A = tpu.sem_alloc : memref<!tpu.dma_semaphore, #tpu.memory_space<semaphore_mem>>
        %dma_start3A_97 = tpu.memref_slice %arg2[%add3A_70] : memref<320000xi32, #tpu.memory_space<hbm>> -> memref<80xi32, #tpu.memory_space<hbm>>
        %dma_start3A_98 = tpu.memref_slice %arg2[%add3A_70] : memref<320000xi32, #tpu.memory_space<hbm>> -> memref<80xi32, #tpu.memory_space<hbm>>
        tpu.enqueue_dma source(%dma_start3A_98 : memref<80xi32, #tpu.memory_space<hbm>>) target(%arg11 : memref<80xi32, #tpu.memory_space<vmem>>) target_semaphore(%run_scoped3A : memref<!tpu.dma_semaphore, #tpu.memory_space<semaphore_mem>>)
        %dma_wait3A_99 = tpu.memref_slice %arg2[%add3A_70] : memref<320000xi32, #tpu.memory_space<hbm>> -> memref<80xi32, #tpu.memory_space<hbm>>
        %dma_wait3A_100 = tpu.memref_slice %arg2[%add3A_70] : memref<320000xi32, #tpu.memory_space<hbm>> -> memref<80xi32, #tpu.memory_space<hbm>>
        tpu.wait_dma2 semaphore(%run_scoped3A : memref<!tpu.dma_semaphore, #tpu.memory_space<semaphore_mem>>) src(%dma_wait3A_100 : memref<80xi32, #tpu.memory_space<hbm>>) dst(%arg11 : memref<80xi32, #tpu.memory_space<vmem>>)
        tpu.yield
      }) : () -> ()
      %mul3A_71 = arith.constant 10000 : i32
      %mul3A_72 = arith.muli %add3A, %mul3A_71 : i32
      %mul3A_73 = arith.constant 80 : i32
      %mul3A_74 = arith.muli %scan3A_65, %mul3A_73 : i32
      %add3A_75 = arith.addi %mul3A_72, %mul3A_74 : i32
      "tpu.region"() ({
        %run_scoped3A = tpu.sem_alloc : memref<!tpu.dma_semaphore, #tpu.memory_space<semaphore_mem>>
        %dma_start3A_97 = tpu.memref_slice %arg3[%add3A_75] : memref<320000xi32, #tpu.memory_space<hbm>> -> memref<80xi32, #tpu.memory_space<hbm>>
        %dma_start3A_98 = tpu.memref_slice %arg3[%add3A_75] : memref<320000xi32, #tpu.memory_space<hbm>> -> memref<80xi32, #tpu.memory_space<hbm>>
        tpu.enqueue_dma source(%dma_start3A_98 : memref<80xi32, #tpu.memory_space<hbm>>) target(%arg12 : memref<80xi32, #tpu.memory_space<vmem>>) target_semaphore(%run_scoped3A : memref<!tpu.dma_semaphore, #tpu.memory_space<semaphore_mem>>)
        %dma_wait3A_99 = tpu.memref_slice %arg3[%add3A_75] : memref<320000xi32, #tpu.memory_space<hbm>> -> memref<80xi32, #tpu.memory_space<hbm>>
        %dma_wait3A_100 = tpu.memref_slice %arg3[%add3A_75] : memref<320000xi32, #tpu.memory_space<hbm>> -> memref<80xi32, #tpu.memory_space<hbm>>
        tpu.wait_dma2 semaphore(%run_scoped3A : memref<!tpu.dma_semaphore, #tpu.memory_space<semaphore_mem>>) src(%dma_wait3A_100 : memref<80xi32, #tpu.memory_space<hbm>>) dst(%arg12 : memref<80xi32, #tpu.memory_space<vmem>>)
        tpu.yield
      }) : () -> ()
      %mul3A_76 = arith.constant 10000 : i32
      %mul3A_77 = arith.muli %add3A, %mul3A_76 : i32
      %mul3A_78 = arith.constant 80 : i32
      %mul3A_79 = arith.muli %scan3A_65, %mul3A_78 : i32
      %add3A_80 = arith.addi %mul3A_77, %mul3A_79 : i32
      "tpu.region"() ({
        %run_scoped3A = tpu.sem_alloc : memref<!tpu.dma_semaphore, #tpu.memory_space<semaphore_mem>>
        %dma_start3A_97 = tpu.memref_slice %arg4[%add3A_80] : memref<320000xf32, #tpu.memory_space<hbm>> -> memref<80xf32, #tpu.memory_space<hbm>>
        %dma_start3A_98 = tpu.memref_slice %arg4[%add3A_80] : memref<320000xf32, #tpu.memory_space<hbm>> -> memref<80xf32, #tpu.memory_space<hbm>>
        tpu.enqueue_dma source(%dma_start3A_98 : memref<80xf32, #tpu.memory_space<hbm>>) target(%arg10 : memref<80xf32, #tpu.memory_space<vmem>>) target_semaphore(%run_scoped3A : memref<!tpu.dma_semaphore, #tpu.memory_space<semaphore_mem>>)
        %dma_wait3A_99 = tpu.memref_slice %arg4[%add3A_80] : memref<320000xf32, #tpu.memory_space<hbm>> -> memref<80xf32, #tpu.memory_space<hbm>>
        %dma_wait3A_100 = tpu.memref_slice %arg4[%add3A_80] : memref<320000xf32, #tpu.memory_space<hbm>> -> memref<80xf32, #tpu.memory_space<hbm>>
        tpu.wait_dma2 semaphore(%run_scoped3A : memref<!tpu.dma_semaphore, #tpu.memory_space<semaphore_mem>>) src(%dma_wait3A_100 : memref<80xf32, #tpu.memory_space<hbm>>) dst(%arg10 : memref<80xf32, #tpu.memory_space<vmem>>)
        tpu.yield
      }) : () -> ()
      %dma_start3A = arith.constant 0 : i32
      %dma_start3A_81 = arith.constant 0 : i32
      %dma_start3A_82 = tpu.memref_slice %arg6[%dma_start3A, %dma_start3A_81] : memref<10000x128xf32, #tpu.memory_space<hbm>> -> memref<10000x128xf32, #tpu.memory_space<hbm>>
      tpu.enqueue_indirect_dma source(%dma_start3A_82 : memref<10000x128xf32, #tpu.memory_space<hbm>>) target(%arg13 : memref<80x128xf32, #tpu.memory_space<vmem>>) offsets(%arg12 : memref<80xi32, #tpu.memory_space<vmem>>) semaphore(%arg17 : memref<!tpu.dma_semaphore, #tpu.memory_space<semaphore_mem>>)
      %dma_wait3A = arith.constant 0 : i32
      %dma_wait3A_83 = arith.constant 0 : i32
      %dma_wait3A_84 = tpu.memref_slice %arg6[%dma_wait3A, %dma_wait3A_83] : memref<10000x128xf32, #tpu.memory_space<hbm>> -> memref<10000x128xf32, #tpu.memory_space<hbm>>
      tpu.wait_indirect_dma semaphore(%arg17 : memref<!tpu.dma_semaphore, #tpu.memory_space<semaphore_mem>>) src(%dma_wait3A_84 : memref<10000x128xf32, #tpu.memory_space<hbm>>) dst(%arg13 : memref<80x128xf32, #tpu.memory_space<vmem>>)
      %scan3A_85 = arith.constant 0 : i32
      %scan3A_86 = arith.constant 0 : i32
      %scan3A_87 = arith.constant 5 : i32
      %scan3A_88 = arith.addi %scan3A_86, %scan3A_87 : i32
      %scan3A_89 = arith.constant 1 : i32
      scf.for %scan3A_97 = %scan3A_86 to %scan3A_88 step %scan3A_89  : i32 {
        %mul3A_98 = arith.constant 16 : i32
        %mul3A_99 = arith.muli %scan3A_97, %mul3A_98 : i32
        %get3A = arith.index_cast %mul3A_99 : i32 to index
        %get3A_100 = tpu.vector_load %arg12[%get3A] {strides = array<i32>} : memref<80xi32, #tpu.memory_space<vmem>>, vector<16xi32>,
        %gather3A = tpu.vector_load_idx %arg8[%get3A_100] : memref<10240xf32, #tpu.memory_space<vmem>>[vector<16xi32>], vector<16xf32>,
        %get3A_101 = arith.index_cast %mul3A_99 : i32 to index
        %get3A_102 = tpu.vector_load %arg10[%get3A_101] {strides = array<i32>} : memref<80xf32, #tpu.memory_space<vmem>>, vector<16xf32>,
        %div3A = arith.divf %get3A_102, %gather3A : vector<16xf32>
        %swap3A = arith.index_cast %mul3A_99 : i32 to index
        %swap3A_103 = tpu.vector_load %arg14[%swap3A] {strides = array<i32>} : memref<80xf32, #tpu.memory_space<vmem>>, vector<16xf32>,
        tpu.vector_store %arg14[%swap3A], %div3A {strides = array<i32>} : memref<80xf32, #tpu.memory_space<vmem>>, vector<16xf32>,
      }
      %scan3A_90 = arith.constant 5 : i32
      %scan3A_91 = arith.constant 0 : i32
      %scan3A_92 = arith.constant 0 : i32
      %scan3A_93 = arith.constant 80 : i32
      %scan3A_94 = arith.addi %scan3A_92, %scan3A_93 : i32
      %scan3A_95 = arith.constant 1 : i32
      scf.for %scan3A_97 = %scan3A_92 to %scan3A_94 step %scan3A_95  : i32 {
        %broadcast_in_dim3A_98 = vector.broadcast %scan3A_97 : i32 to vector<16xi32>
        %gather3A = tpu.vector_load_idx %arg14[%broadcast_in_dim3A_98] : memref<80xf32, #tpu.memory_space<vmem>>[vector<16xi32>], vector<16xf32>,
        %gather3A_99 = tpu.vector_load_idx %arg13[%broadcast_in_dim3A_98, %add3A_8] : memref<80x128xf32, #tpu.memory_space<vmem>>[vector<16xi32>, vector<16xi32>], vector<16xf32>,
        %mul3A_100 = arith.mulf %gather3A_99, %gather3A : vector<16xf32>
        tpu.vector_store_idx %arg13[%broadcast_in_dim3A_98, %add3A_8], %mul3A_100 : memref<80x128xf32, #tpu.memory_space<vmem>>[vector<16xi32>, vector<16xi32>], vector<16xf32>,
        %gather3A_101 = tpu.vector_load_idx %arg13[%broadcast_in_dim3A_98, %add3A_12] : memref<80x128xf32, #tpu.memory_space<vmem>>[vector<16xi32>, vector<16xi32>], vector<16xf32>,
        %mul3A_102 = arith.mulf %gather3A_101, %gather3A : vector<16xf32>
        tpu.vector_store_idx %arg13[%broadcast_in_dim3A_98, %add3A_12], %mul3A_102 : memref<80x128xf32, #tpu.memory_space<vmem>>[vector<16xi32>, vector<16xi32>], vector<16xf32>,
        %gather3A_103 = tpu.vector_load_idx %arg13[%broadcast_in_dim3A_98, %add3A_16] : memref<80x128xf32, #tpu.memory_space<vmem>>[vector<16xi32>, vector<16xi32>], vector<16xf32>,
        %mul3A_104 = arith.mulf %gather3A_103, %gather3A : vector<16xf32>
        tpu.vector_store_idx %arg13[%broadcast_in_dim3A_98, %add3A_16], %mul3A_104 : memref<80x128xf32, #tpu.memory_space<vmem>>[vector<16xi32>, vector<16xi32>], vector<16xf32>,
        %gather3A_105 = tpu.vector_load_idx %arg13[%broadcast_in_dim3A_98, %add3A_20] : memref<80x128xf32, #tpu.memory_space<vmem>>[vector<16xi32>, vector<16xi32>], vector<16xf32>,
        %mul3A_106 = arith.mulf %gather3A_105, %gather3A : vector<16xf32>
        tpu.vector_store_idx %arg13[%broadcast_in_dim3A_98, %add3A_20], %mul3A_106 : memref<80x128xf32, #tpu.memory_space<vmem>>[vector<16xi32>, vector<16xi32>], vector<16xf32>,
        %gather3A_107 = tpu.vector_load_idx %arg13[%broadcast_in_dim3A_98, %add3A_24] : memref<80x128xf32, #tpu.memory_space<vmem>>[vector<16xi32>, vector<16xi32>], vector<16xf32>,
        %mul3A_108 = arith.mulf %gather3A_107, %gather3A : vector<16xf32>
        tpu.vector_store_idx %arg13[%broadcast_in_dim3A_98, %add3A_24], %mul3A_108 : memref<80x128xf32, #tpu.memory_space<vmem>>[vector<16xi32>, vector<16xi32>], vector<16xf32>,
        %gather3A_109 = tpu.vector_load_idx %arg13[%broadcast_in_dim3A_98, %add3A_28] : memref<80x128xf32, #tpu.memory_space<vmem>>[vector<16xi32>, vector<16xi32>], vector<16xf32>,
        %mul3A_110 = arith.mulf %gather3A_109, %gather3A : vector<16xf32>
        tpu.vector_store_idx %arg13[%broadcast_in_dim3A_98, %add3A_28], %mul3A_110 : memref<80x128xf32, #tpu.memory_space<vmem>>[vector<16xi32>, vector<16xi32>], vector<16xf32>,
        %gather3A_111 = tpu.vector_load_idx %arg13[%broadcast_in_dim3A_98, %add3A_32] : memref<80x128xf32, #tpu.memory_space<vmem>>[vector<16xi32>, vector<16xi32>], vector<16xf32>,
        %mul3A_112 = arith.mulf %gather3A_111, %gather3A : vector<16xf32>
        tpu.vector_store_idx %arg13[%broadcast_in_dim3A_98, %add3A_32], %mul3A_112 : memref<80x128xf32, #tpu.memory_space<vmem>>[vector<16xi32>, vector<16xi32>], vector<16xf32>,
        %gather3A_113 = tpu.vector_load_idx %arg13[%broadcast_in_dim3A_98, %add3A_36] : memref<80x128xf32, #tpu.memory_space<vmem>>[vector<16xi32>, vector<16xi32>], vector<16xf32>,
        %mul3A_114 = arith.mulf %gather3A_113, %gather3A : vector<16xf32>
        tpu.vector_store_idx %arg13[%broadcast_in_dim3A_98, %add3A_36], %mul3A_114 : memref<80x128xf32, #tpu.memory_space<vmem>>[vector<16xi32>, vector<16xi32>], vector<16xf32>,
      }
      %scan3A_96 = arith.constant 80 : i32
      "tpu.region"() ({
        %run_scoped3A = tpu.sem_alloc : memref<!tpu.dma_semaphore, #tpu.memory_space<semaphore_mem>>
        %dma_start3A_97 = arith.constant 0 : i32
        %dma_start3A_98 = arith.constant 0 : i32
        %dma_start3A_99 = tpu.memref_slice %arg16[%dma_start3A_97, %dma_start3A_98] : memref<10240x128xf32, #tpu.memory_space<vmem_shared>> -> memref<10240x128xf32, #tpu.memory_space<vmem_shared>>
        tpu.enqueue_indirect_dma source(%arg13 : memref<80x128xf32, #tpu.memory_space<vmem>>) target(%dma_start3A_99 : memref<10240x128xf32, #tpu.memory_space<vmem_shared>>) offsets(%arg11 : memref<80xi32, #tpu.memory_space<vmem>>) semaphore(%run_scoped3A : memref<!tpu.dma_semaphore, #tpu.memory_space<semaphore_mem>>) {add = true}
        %dma_wait3A_100 = arith.constant 0 : i32
        %dma_wait3A_101 = arith.constant 0 : i32
        %dma_wait3A_102 = tpu.memref_slice %arg16[%dma_wait3A_100, %dma_wait3A_101] : memref<10240x128xf32, #tpu.memory_space<vmem_shared>> -> memref<10240x128xf32, #tpu.memory_space<vmem_shared>>
        tpu.wait_indirect_dma semaphore(%run_scoped3A : memref<!tpu.dma_semaphore, #tpu.memory_space<semaphore_mem>>) src(%arg13 : memref<80x128xf32, #tpu.memory_space<vmem>>) dst(%dma_wait3A_102 : memref<10240x128xf32, #tpu.memory_space<vmem_shared>>)
        tpu.yield
      }) : () -> ()
    }
    %scan3A_57 = arith.constant 125 : i32
    %barrier3A_58 = arith.constant 0 : index
    tpu.barrier barrier_id(%barrier3A_58)
    %scan3A_59 = arith.constant 0 : i32
    %scan3A_60 = arith.constant 0 : i32
    %scan3A_61 = arith.constant 10 : i32
    %scan3A_62 = arith.addi %scan3A_60, %scan3A_61 : i32
    %scan3A_63 = arith.constant 1 : i32
    scf.for %scan3A_65 = %scan3A_60 to %scan3A_62 step %scan3A_63  : i32 {
      %mul3A_66 = arith.constant 64 : i32
      %mul3A_67 = arith.muli %scan3A_65, %mul3A_66 : i32
      %add3A_68 = arith.addi %mul3A_45, %mul3A_67 : i32
      %mul3A_69 = arith.constant 64 : i32
      %mul3A_70 = arith.muli %scan3A_65, %mul3A_69 : i32
      %add3A_71 = arith.addi %mul3A_45, %mul3A_70 : i32
      "tpu.region"() ({
        %run_scoped3A = tpu.sem_alloc : memref<!tpu.dma_semaphore, #tpu.memory_space<semaphore_mem>>
        %dma_start3A = arith.constant 0 : i32
        %dma_start3A_72 = tpu.memref_slice %arg7[%arg0, %add3A_71, %dma_start3A] : memref<2x10240x128xf32, #tpu.memory_space<hbm>> -> memref<1x64x128xf32, #tpu.memory_space<hbm>>
        %dma_start3A_73 = tpu.memref_squeeze %dma_start3A_72 : memref<1x64x128xf32, #tpu.memory_space<hbm>> -> memref<64x128xf32, #tpu.memory_space<hbm>>
        %dma_start3A_74 = arith.constant 0 : i32
        %dma_start3A_75 = tpu.memref_slice %arg16[%add3A_68, %dma_start3A_74] : memref<10240x128xf32, #tpu.memory_space<vmem_shared>> -> memref<64x128xf32, #tpu.memory_space<vmem_shared>>
        tpu.enqueue_dma source(%dma_start3A_75 : memref<64x128xf32, #tpu.memory_space<vmem_shared>>) target(%dma_start3A_73 : memref<64x128xf32, #tpu.memory_space<hbm>>) target_semaphore(%run_scoped3A : memref<!tpu.dma_semaphore, #tpu.memory_space<semaphore_mem>>)
        %dma_wait3A = arith.constant 0 : i32
        %dma_wait3A_76 = tpu.memref_slice %arg7[%arg0, %add3A_71, %dma_wait3A] : memref<2x10240x128xf32, #tpu.memory_space<hbm>> -> memref<1x64x128xf32, #tpu.memory_space<hbm>>
        %dma_wait3A_77 = tpu.memref_squeeze %dma_wait3A_76 : memref<1x64x128xf32, #tpu.memory_space<hbm>> -> memref<64x128xf32, #tpu.memory_space<hbm>>
        %dma_wait3A_78 = arith.constant 0 : i32
        %dma_wait3A_79 = tpu.memref_slice %arg16[%add3A_68, %dma_wait3A_78] : memref<10240x128xf32, #tpu.memory_space<vmem_shared>> -> memref<64x128xf32, #tpu.memory_space<vmem_shared>>
        tpu.wait_dma2 semaphore(%run_scoped3A : memref<!tpu.dma_semaphore, #tpu.memory_space<semaphore_mem>>) src(%dma_wait3A_79 : memref<64x128xf32, #tpu.memory_space<vmem_shared>>) dst(%dma_wait3A_77 : memref<64x128xf32, #tpu.memory_space<hbm>>)
        tpu.yield
      }) : () -> ()
    }
    %scan3A_64 = arith.constant 10 : i32
    return
  }
}

module attributes {stable_mosaic.version = 14 : i64} {
  func.func @_dense_body(%arg0: i32, %arg1: memref<1000x128xf32, #tpu.memory_space<vmem>>, %arg2: memref<128x128xf32, #tpu.memory_space<vmem>>, %arg3: memref<1x128xf32, #tpu.memory_space<vmem>>, %arg4: memref<128x1xf32, #tpu.memory_space<vmem>>, %arg5: memref<128x1xf32, #tpu.memory_space<vmem>>, %arg6: memref<1000x128xf32, #tpu.memory_space<vmem>>, %arg7: memref<1000x1xf32, #tpu.memory_space<vmem>>, %arg8: memref<1000x1xf32, #tpu.memory_space<vmem>>) attributes {dimension_semantics = [#tpu.dimension_semantics<arbitrary>], iteration_bounds = array<i64: 10>, scalar_prefetch = 0 : i64, scratch_operands = 0 : i64, tpu.core_type = #tpu.core_type<tc>, window_params = [{transform_indices = @transform_0, window_bounds = array<i64: 1000, 128>}, {pipeline_mode = #tpu.pipeline_mode<synchronous>, transform_indices = @transform_1, window_bounds = array<i64: 128, 128>}, {pipeline_mode = #tpu.pipeline_mode<synchronous>, transform_indices = @transform_2, window_bounds = array<i64: 1, 128>}, {pipeline_mode = #tpu.pipeline_mode<synchronous>, transform_indices = @transform_3, window_bounds = array<i64: 128, 1>}, {pipeline_mode = #tpu.pipeline_mode<synchronous>, transform_indices = @transform_4, window_bounds = array<i64: 128, 1>}, {transform_indices = @transform_5, window_bounds = array<i64: 1000, 128>}, {transform_indices = @transform_6, window_bounds = array<i64: 1000, 1>}, {transform_indices = @transform_7, window_bounds = array<i64: 1000, 1>}]} {
    %get3A = arith.constant 0 : index
    %get3A_0 = arith.constant 0 : index
    %get3A_1 = vector.load %arg1[%get3A, %get3A_0] : memref<1000x128xf32, #tpu.memory_space<vmem>>, vector<1000x128xf32>
    %get3A_2 = arith.constant 0 : index
    %get3A_3 = arith.constant 0 : index
    %get3A_4 = vector.load %arg2[%get3A_2, %get3A_3] : memref<128x128xf32, #tpu.memory_space<vmem>>, vector<128x128xf32>
    %dot_general3A = arith.constant dense<0.000000e+00> : vector<1000x128xf32>
    %dot_general3A_5 = tpu.matmul %get3A_1, %get3A_4, %dot_general3A {dimension_numbers = #tpu.dot_dimension_numbers<[1], [1], [0], [0], [0, 0, 1, 0], [], []>, transpose_lhs_hint = false} : vector<1000x128xf32>, vector<128x128xf32>, vector<1000x128xf32> -> vector<1000x128xf32>
    %get3A_6 = arith.constant 0 : index
    %get3A_7 = arith.constant 0 : index
    %get3A_8 = vector.load %arg3[%get3A_6, %get3A_7] : memref<1x128xf32, #tpu.memory_space<vmem>>, vector<1x128xf32>
    %add3A = vector.broadcast %get3A_8 : vector<1x128xf32> to vector<1000x128xf32>
    %add3A_9 = arith.addf %dot_general3A_5, %add3A : vector<1000x128xf32>
    %swap3A = arith.constant 0 : index
    %swap3A_10 = arith.constant 0 : index
    %swap3A_11 = vector.load %arg6[%swap3A, %swap3A_10] : memref<1000x128xf32, #tpu.memory_space<vmem>>, vector<1000x128xf32>
    tpu.vector_store %arg6[%swap3A, %swap3A_10], %add3A_9 {strides = array<i32>} : memref<1000x128xf32, #tpu.memory_space<vmem>>, vector<1000x128xf32>,
    %get3A_12 = arith.constant 0 : index
    %get3A_13 = arith.constant 0 : index
    %get3A_14 = vector.load %arg4[%get3A_12, %get3A_13] : memref<128x1xf32, #tpu.memory_space<vmem>>, vector<128x1xf32>
    %dot_general3A_15 = arith.constant dense<0.000000e+00> : vector<1000x1xf32>
    %dot_general3A_16 = tpu.matmul %add3A_9, %get3A_14, %dot_general3A_15 {dimension_numbers = #tpu.dot_dimension_numbers<[1], [0], [0], [1], [0, 0, 1, 1], [], []>, transpose_lhs_hint = false} : vector<1000x128xf32>, vector<128x1xf32>, vector<1000x1xf32> -> vector<1000x1xf32>
    %swap3A_17 = arith.constant 0 : index
    %swap3A_18 = arith.constant 0 : index
    %swap3A_19 = vector.load %arg7[%swap3A_17, %swap3A_18] : memref<1000x1xf32, #tpu.memory_space<vmem>>, vector<1000x1xf32>
    tpu.vector_store %arg7[%swap3A_17, %swap3A_18], %dot_general3A_16 {strides = array<i32>} : memref<1000x1xf32, #tpu.memory_space<vmem>>, vector<1000x1xf32>,
    %get3A_20 = arith.constant 0 : index
    %get3A_21 = arith.constant 0 : index
    %get3A_22 = vector.load %arg5[%get3A_20, %get3A_21] : memref<128x1xf32, #tpu.memory_space<vmem>>, vector<128x1xf32>
    %dot_general3A_23 = arith.constant dense<0.000000e+00> : vector<1000x1xf32>
    %dot_general3A_24 = tpu.matmul %add3A_9, %get3A_22, %dot_general3A_23 {dimension_numbers = #tpu.dot_dimension_numbers<[1], [0], [0], [1], [0, 0, 1, 1], [], []>, transpose_lhs_hint = false} : vector<1000x128xf32>, vector<128x1xf32>, vector<1000x1xf32> -> vector<1000x1xf32>
    %swap3A_25 = arith.constant 0 : index
    %swap3A_26 = arith.constant 0 : index
    %swap3A_27 = vector.load %arg8[%swap3A_25, %swap3A_26] : memref<1000x1xf32, #tpu.memory_space<vmem>>, vector<1000x1xf32>
    tpu.vector_store %arg8[%swap3A_25, %swap3A_26], %dot_general3A_24 {strides = array<i32>} : memref<1000x1xf32, #tpu.memory_space<vmem>>, vector<1000x1xf32>,
    return
  }
  func.func @transform_0(%arg0: i32) -> (i32, i32) {
    %c0_i32 = arith.constant 0 : i32
    %c0_i32_0 = arith.constant 0 : i32
    return %arg0, %c0_i32 : i32, i32
  }
  func.func @transform_1(%arg0: i32) -> (i32, i32) {
    %c0_i32 = arith.constant 0 : i32
    %c0_i32_0 = arith.constant 0 : i32
    %c0_i32_1 = arith.constant 0 : i32
    return %c0_i32, %c0_i32_0 : i32, i32
  }
  func.func @transform_2(%arg0: i32) -> (i32, i32) {
    %c0_i32 = arith.constant 0 : i32
    %c0_i32_0 = arith.constant 0 : i32
    %c0_i32_1 = arith.constant 0 : i32
    return %c0_i32, %c0_i32_0 : i32, i32
  }
  func.func @transform_3(%arg0: i32) -> (i32, i32) {
    %c0_i32 = arith.constant 0 : i32
    %c0_i32_0 = arith.constant 0 : i32
    %c0_i32_1 = arith.constant 0 : i32
    return %c0_i32, %c0_i32_0 : i32, i32
  }
  func.func @transform_4(%arg0: i32) -> (i32, i32) {
    %c0_i32 = arith.constant 0 : i32
    %c0_i32_0 = arith.constant 0 : i32
    %c0_i32_1 = arith.constant 0 : i32
    return %c0_i32, %c0_i32_0 : i32, i32
  }
  func.func @transform_5(%arg0: i32) -> (i32, i32) {
    %c0_i32 = arith.constant 0 : i32
    %c0_i32_0 = arith.constant 0 : i32
    return %arg0, %c0_i32 : i32, i32
  }
  func.func @transform_6(%arg0: i32) -> (i32, i32) {
    %c0_i32 = arith.constant 0 : i32
    %c0_i32_0 = arith.constant 0 : i32
    return %arg0, %c0_i32 : i32, i32
  }
  func.func @transform_7(%arg0: i32) -> (i32, i32) {
    %c0_i32 = arith.constant 0 : i32
    %c0_i32_0 = arith.constant 0 : i32
    return %arg0, %c0_i32 : i32, i32
  }
}

module attributes {stable_mosaic.version = 14 : i64} {
  func.func @_fin_body(%arg0: i32, %arg1: memref<1000x128xf32, #tpu.memory_space<vmem>>, %arg2: memref<1000x128xf32, #tpu.memory_space<vmem>>, %arg3: memref<1000x128xf32, #tpu.memory_space<vmem>>) attributes {dimension_semantics = [#tpu.dimension_semantics<arbitrary>], iteration_bounds = array<i64: 10>, scalar_prefetch = 0 : i64, scratch_operands = 0 : i64, tpu.core_type = #tpu.core_type<tc>, window_params = [{transform_indices = @transform_0, window_bounds = array<i64: 1000, 128>}, {transform_indices = @transform_1, window_bounds = array<i64: 1000, 128>}, {transform_indices = @transform_2, window_bounds = array<i64: 1000, 128>}]} {
    %get3A = arith.constant 0 : index
    %get3A_0 = arith.constant 0 : index
    %get3A_1 = vector.load %arg1[%get3A, %get3A_0] : memref<1000x128xf32, #tpu.memory_space<vmem>>, vector<1000x128xf32>
    %get3A_2 = arith.constant 0 : index
    %get3A_3 = arith.constant 0 : index
    %get3A_4 = vector.load %arg2[%get3A_2, %get3A_3] : memref<1000x128xf32, #tpu.memory_space<vmem>>, vector<1000x128xf32>
    %add3A = arith.addf %get3A_1, %get3A_4 : vector<1000x128xf32>
    %gt3A = arith.constant 0.000000e+00 : f32
    %gt3A_5 = vector.broadcast %gt3A : f32 to vector<1000x128xf32>
    %gt3A_6 = arith.cmpf ogt, %add3A, %gt3A_5 : vector<1000x128xf32>
    %exp3A = math.exp %add3A : vector<1000x128xf32>
    %sub3A = arith.constant 1.000000e+00 : f32
    %sub3A_7 = vector.broadcast %sub3A : f32 to vector<1000x128xf32>
    %sub3A_8 = arith.subf %exp3A, %sub3A_7 : vector<1000x128xf32>
    %select_n3A = arith.select %gt3A_6, %add3A, %sub3A_8 : vector<1000x128xi1>, vector<1000x128xf32>
    %swap3A = arith.constant 0 : index
    %swap3A_9 = arith.constant 0 : index
    %swap3A_10 = vector.load %arg3[%swap3A, %swap3A_9] : memref<1000x128xf32, #tpu.memory_space<vmem>>, vector<1000x128xf32>
    tpu.vector_store %arg3[%swap3A, %swap3A_9], %select_n3A {strides = array<i32>} : memref<1000x128xf32, #tpu.memory_space<vmem>>, vector<1000x128xf32>,
    return
  }
  func.func @transform_0(%arg0: i32) -> (i32, i32) {
    %c0_i32 = arith.constant 0 : i32
    %c0_i32_0 = arith.constant 0 : i32
    return %arg0, %c0_i32 : i32, i32
  }
  func.func @transform_1(%arg0: i32) -> (i32, i32) {
    %c0_i32 = arith.constant 0 : i32
    %c0_i32_0 = arith.constant 0 : i32
    return %arg0, %c0_i32 : i32, i32
  }
  func.func @transform_2(%arg0: i32) -> (i32, i32) {
    %c0_i32 = arith.constant 0 : i32
    %c0_i32_0 = arith.constant 0 : i32
    return %arg0, %c0_i32 : i32, i32
  }
}

</mosaic_0001>

<sc_bundles>
// kernel: kernel.6.cloned.1.call-start
scs
__scs_entry_jumppad:
0x0: {  	(pc) =	sbr.rel $0x88, $3  }
0x1: {  	(tag) =	ssettag $0x0;
	lr =	simm.s32 $0x1  }
0x2: {  	[smem:$0x3F9C] =	sst lr;
	_ =	strace $0xD0000000  }
0x3: {  	_ = 	snop  }
0x4: {  	_ = 	snop  }
0x5: {  	_ = 	snop  }
0x6: {  	_ = 	snop  }
0x7: {  	_ = 	snop  }
__scs_overlays_trampoline_lowered:
0x8: {  	[smem:$0x3FAB] =	sst s0  }
0x9: {  	[smem:$0x3FAC] =	sst s1  }
0xa: {  	[smem:$0x3FAD] =	sst s2  }
0xb: {  	[smem:$0x3FAE] =	sst s3  }
0xc: {  	[smem:$0x3FAF] =	sst s4  }
0xd: {  	[smem:$0x3FB0] =	sst s5  }
0xe: {  	[smem:$0x3FB1] =	sst s6  }
0xf: {  	[smem:$0x3FB2] =	sst s7  }
0x10: {  	[smem:$0x3FB3] =	sst s8  }
0x11: {  	[smem:$0x3FB4] =	sst s9;
	s0 =	simm.s32 @!p0 $0x0  }
0x12: {  	s1 =	sld [smem:$0x3F9A];
	s0 =	simm.s32 @p0 $0x1  }
0x13: {  	[smem:$0x3FB5] =	sst s0;
	s0 =	simm.s32 @!p1 $0x0  }
0x14: {  	s2 =	sld [smem:$0x3F99];
	s0 =	simm.s32 @p1 $0x1  }
0x15: {  	[smem:$0x3FB6] =	sst s0;
	s0 =	simm.s32 @!p2 $0x0  }
0x16: {  	s3 =	sld [smem:$0x3FDB];
	s0 =	simm.s32 @p2 $0x1  }
0x17: {  	s4 =	simm.s32 $0x1BF5;
	[smem:$0x3FB8] =	sst s0  }
0x18: {  	s0 =	sld [smem:$0x3F9B];
	_ =	swait.ge [sflag:s4], $0x0  }
0x19: {  	s7 =	sld [smem:$0x3F9C]  }
0x1a: {  	s8 =	sadd.s32 $0xFFFFE003, lr  }
0x1b: {  	s9 =	sadd.s32 $0xFFFFFEF7, lr;
	s5 =	simm.s32 $0xFFFFFFFF;
	p2 =	slt.u32 s8, $0xFFFFF086  }
0x1c: {  	p1 =	slt.u32 s9, $0xF7A;
	s5 =	simm.s32 @!p2 $0x0  }
0x1d: {  	s5 =	simm.s32 @p1 $0x1;
	p0 =	seq.s32 s7, s2  }
0x1e: {  	s7 =	smul.u32 @!p0 $0xF7A, s2;
	p2 =	seq.s32 @!p0 s5, $0x0  }
0x1f: {  	s9 =	smul.u32 $0xF7A, s1;
	s8 =	simm.s32 @!p0 $0x1BF5;
	p2 =	por !p2, p0  }
0x20: {  	[sflag:s8] =	ssyncset.s32 @!p0 $0xFFFFF086;
	s6 =	sadd.s32 @!p0 s3, s7;
	s7 =	simm.s32 @!p0 $0x108  }
0x21: {  	s3 =	sadd.s32 s3, s9;
	s6 =	sadd.s32 @!p0 $0x88, s6;
	s7 =	simm.s32 @p2 $0x1082  }
0x22: {  	[simem:s7], [sflag:s8] =	dma.local @!p0 [hbm:s6], $0xF7A  }
0x23: {  	s9 =	sor.u32 $0xD0000000, s2;
	s6 =	simm.s32 $0x108;
	_ =	swait.ge @!p0 [sflag:s8], $0x0  }
0x24: {  	s3 =	sadd.s32 $0x88, s3;
	s6 =	simm.s32 @!p1 $0x1082;
	[sflag:s4] =	ssyncset.s32 $0xFFFFF086  }
0x25: {  	[simem:s6], [sflag:s4] =	dma.local [hbm:s3], $0xF7A  }
0x26: {  	[smem:$0x3F9C] =	sst s1;
	(tag) =	ssettag s2;
	_ =	strace s9  }
0x27: {  	s1 =	sld [smem:$0x3FAC]  }
0x28: {  	s2 =	sld [smem:$0x3FAD]  }
0x29: {  	s4 =	sld [smem:$0x3FAF]  }
0x2a: {  	p0 =	seq.s32 s5, $0x0;
	s5 =	sld [smem:$0x3FB0]  }
0x2b: {  	s6 =	sld [smem:$0x3FB1]  }
0x2c: {  	s7 =	sld [smem:$0x3FB2]  }
0x2d: {  	s3 =	simm.s32 $0x108;
	s8 =	sld [smem:$0x3FB3]  }
0x2e: {  	s3 =	simm.s32 @!p0 $0x1082;
	s9 =	sld [smem:$0x3FB4]  }
0x2f: {  	lr =	sadd.s32 s0, s3;
	s0 =	sld [smem:$0x3FAB]  }
0x30: {  	s3 =	sld [smem:$0x3FAE]  }
0x31: {  	[smem:$0x3FB7] =	sst s10  }
0x32: {  	s10 =	sld [smem:$0x3FB5];
	_ =	sdelay $0x3  }
0x33: {  	p0 =	seq.s32 s10, $0x1;
	s10 =	sld [smem:$0x3FB7];
	_ =	sdelay $0x3  }
0x34: {  	[smem:$0x3FB7] =	sst s10  }
0x35: {  	s10 =	sld [smem:$0x3FB6];
	_ =	sdelay $0x3  }
0x36: {  	p1 =	seq.s32 s10, $0x1;
	s10 =	sld [smem:$0x3FB7];
	_ =	sdelay $0x3  }
0x37: {  	[smem:$0x3FB7] =	sst s10  }
0x38: {  	s10 =	sld [smem:$0x3FB8]  }
0x39: {  	_ = 	snop;
	(pc) =	sbr.ind lr, $3  }
0x3a: {  	_ = 	snop  }
0x3b: {  	_ = 	snop  }
0x3c: {  	p2 =	seq.s32 s10, $0x1;
	s10 =	sld [smem:$0x3FB7]  }
0x3d: {  	_ =	shalt  }
0x3e: {  	_ =	shalt  }
0x3f: {  	_ =	shalt  }
0x40: {  	_ =	shalt  }
0x41: {  	_ =	shalt  }
0x42: {  	_ =	shalt  }
0x43: {  	_ =	shalt  }
0x44: {  	_ =	shalt  }
0x45: {  	_ =	shalt  }
0x46: {  	_ =	shalt  }
0x47: {  	_ =	shalt  }
0x48: {  	_ =	shalt  }
0x49: {  	_ =	shalt  }
0x4a: {  	_ =	shalt  }
0x4b: {  	_ =	shalt  }
0x4c: {  	_ =	shalt  }
0x4d: {  	_ =	shalt  }
0x4e: {  	_ =	shalt  }
0x4f: {  	_ =	shalt  }
0x50: {  	_ =	shalt  }
0x51: {  	_ =	shalt  }
0x52: {  	_ =	shalt  }
0x53: {  	_ =	shalt  }
0x54: {  	_ =	shalt  }
0x55: {  	_ =	shalt  }
0x56: {  	_ =	shalt  }
0x57: {  	_ =	shalt  }
0x58: {  	_ =	shalt  }
0x59: {  	_ =	shalt  }
0x5a: {  	_ =	shalt  }
0x5b: {  	_ =	shalt  }
0x5c: {  	_ =	shalt  }
0x5d: {  	_ =	shalt  }
0x5e: {  	_ =	shalt  }
0x5f: {  	_ =	shalt  }
0x60: {  	_ =	shalt  }
0x61: {  	_ =	shalt  }
0x62: {  	_ =	shalt  }
0x63: {  	_ =	shalt  }
0x64: {  	_ =	shalt  }
0x65: {  	_ =	shalt  }
0x66: {  	_ =	shalt  }
0x67: {  	_ =	shalt  }
0x68: {  	_ =	shalt  }
0x69: {  	_ =	shalt  }
0x6a: {  	_ =	shalt  }
0x6b: {  	_ =	shalt  }
0x6c: {  	_ =	shalt  }
0x6d: {  	_ =	shalt  }
0x6e: {  	_ =	shalt  }
0x6f: {  	_ =	shalt  }
0x70: {  	_ =	shalt  }
0x71: {  	_ =	shalt  }
0x72: {  	_ =	shalt  }
0x73: {  	_ =	shalt  }
0x74: {  	_ =	shalt  }
0x75: {  	_ =	shalt  }
0x76: {  	_ =	shalt  }
0x77: {  	_ =	shalt  }
0x78: {  	_ =	shalt  }
0x79: {  	_ =	shalt  }
0x7a: {  	_ =	shalt  }
0x7b: {  	_ =	shalt  }
0x7c: {  	_ =	shalt  }
0x7d: {  	_ =	shalt  }
0x7e: {  	_ =	shalt  }
0x7f: {  	_ =	shalt  }
0x80: {  	_ =	shalt  }
0x81: {  	_ =	shalt  }
0x82: {  	_ =	shalt  }
0x83: {  	_ =	shalt  }
0x84: {  	_ =	shalt  }
0x85: {  	_ =	shalt  }
0x86: {  	_ =	shalt  }
0x87: {  	_ =	shalt  }
.Lfunc_end0:
.L_simem_size_0:
called_computation_lowered:
.L_overlay_start_0:
0x88: {  	s2 =	sld [smem:$0x3FD9]  }
0x89: {  	s3 =	sld [smem:$0x3FFE];
	_ =	sdelay $0x1  }
0x8a: {  	s1 =	srdreg.scid  }
0x8b: {  	s0 =	sand.u32 $0x1, s1  }
0x8c: {  	s16 =	sshll.u32 s0, $0xA;
	s2 =	sadd.s32 s3, s2  }
0x8d: {  	s2 =	sadd.s32 s2, s16  }
0x8e: {  	[smem:$0x3FC3] =	sst s2  }
0x8f: {  	_ = 	snop  }
0x90: {  	(tm) =	ssettm $0x1  }
0x91: {  	s17 =	sld [smem:$0x3FFB];
	_ =	sdelay $0x3  }
0x92: {  	_ =	strace s17  }
0x93: {  	s2 =	sld [smem:$0x3FFC];
	_ =	sdelay $0x3  }
0x94: {  	_ =	strace s2  }
0x95: {  	s2 =	sld [smem:$0x3FFD];
	_ =	sdelay $0x3  }
0x96: {  	_ =	strace s2  }
0x97: {  	_ =	strace $0x8FFFFFFF  }
0x98: {  	s18 =	sld [smem:$0x3FDB];
	_ =	sdelay $0x1  }
0x99: {  	s19 =	simm.s32 $_scs_section_size  }
0x9a: {  	s4 =	simm.s32 $_size__tile_overlayer_lowered;
	s5 =	simm.s32 $_tile_overlayer_lowered  }
0x9b: {  	s22 =	simm.s32 $0x1BFF;
	s21 =	sshll.u32 s5, $0x1;
	s2 =	sadd.s32 s19, s18  }
0x9c: {  	s6 =	simm.s32 $0x0;
	s20 =	sshll.u32 s4, $0x1;
	s4 =	sadd.s32 s21, s2  }
0x9d: {  	[timem:s6], [sflag:s22] =	dma.local [hbm:s4], s20  }
0x9e: {  	_ =	swait.ge [sflag:s22], s20  }
0x9f: {  	s3 =	ssub.s32 $0x0, s20;
	[sflag:s22] =	ssyncset.done $0x0  }
0xa0: {  	[sflag:s22] =	ssyncadd.s32 s3;
	_ =	sdelay $0x1  }
0xa1: {  	s23 =	simm.s32 $0x1B8B  }
0xa2: {  	_ =	swait.ge [sflag:s23], $0x1  }
0xa3: {  	[sflag:s23] =	ssyncset.done $0x0  }
0xa4: {  	s25 =	simm.s32 $0x1B8E;
	s24 =	sld [smem:$0x3FFE];
	[sflag:s23] =	ssyncadd.s32 $0xFFFFFFFF  }
0xa5: {  	s26 =	simm.s32 $execute0_lowered;
	[smem:$0x3FD2] =	sst s25  }
0xa6: {  	s4 =	sshll.u32 s26, $0x1;
	_ =	strace $0x80000046;
	[dreg:$0x1] =	wrdreg $0xFFFFFFFF  }
0xa7: {  	s28 =	simm.s32 $_size_execute0_lowered;
	s2 =	sadd.s32 s2, s4;
	[dreg:$0x0] =	wrdreg $0x0  }
0xa8: {  	s4 =	sshll.u32 s28, $0x1;
	[dreg:$0x2] =	wrdreg s2  }
0xa9: {  	[dreg:$0x3] =	wrdreg s4  }
0xaa: {  	[dreg:$0x4] =	wrdreg $0xC0  }
0xab: {  	_ =	task [dreg:s6], $0x5FFFF  }
0xac: {  	[dreg:$0x1] =	wrdreg $0xFFFFFFFF  }
0xad: {  	[dreg:$0x0] =	wrdreg $0x60  }
0xae: {  	[dreg:$0x2] =	wrdreg s24  }
0xaf: {  	[dreg:$0x3] =	wrdreg $0xF2800  }
0xb0: {  	[dreg:$0x4] =	wrdreg $0x9  }
0xb1: {  	_ =	task.clear_ibuf [dreg:s6], $0x5FFFF;
	_ =	strace $0x90000046  }
0xb2: {  	s29 =	simm.s32 $0x9;
	_ =	strace $0x80000048  }
0xb3: {  	_ =	swait.ge [sflag:s29], $0x1  }
0xb4: {  	[sflag:s29] =	ssyncadd.s32 $0xFFFFFFFF  }
0xb5: {  	_ =	strace $0x90000048  }
0xb6: {  	_ =	sfence  }
0xb7: {  	s30 =	sld [smem:$0x0];
	_ =	sdelay $0x2  }
0xb8: {  	s31 =	sshll.u32 s1, $0xD;
	s1 =	sshrl.u32 s1, $0x2  }
0xb9: {  	s3 =	sand.u32 $0x4000, s31;
	s1 =	sadd.s32 s1, s30  }
0xba: {  	s0 =	sor.u32 s3, s0;
	s1 =	sshll.u32 s1, $0x11  }
0xbb: {  	s0 =	sor.u32 s1, s0  }
0xbc: {  	s0 =	sadd.s32 $0x8F2B, s0  }
0xbd: {  	[sflag:s0] =	ssyncadd.remote.s32 $0x1  }
0xbe: {  	_ =	sfence.sel $0xFFFF  }
0xbf: {  	[dreg:$0x0] =	wrdreg $0xFFFFFFFF;
	(pc) =	sbr.abs _section_cstart, $3  }
0xc0: {  	[dreg:$0x1] =	wrdreg $0xFFFFFFFF  }
0xc1: {  	_ =	task.clear_ibuf [dreg:s6], $0x2FFFF;
	_ =	strace $0x9FFFFFFF  }
0xc2: {  	(tm) =	ssettm $0x7FFFFFFF  }
0xc3: {  	_ =	shalt  }
tec
execute0_lowered:
.L_overlay_start_1:
0x0: {  	(tag) =	ssettag $0x1  }
0x1: {  	s6 =	rddreg [dreg:$0x0]  }
0x2: {  	s0 =	srdreg.scid;
	s9 =	rddreg [dreg:$0x1];
	s2 =	simm.s32 $0x0  }
0x3: {  	s14 =	simm.s32 $0x4F00;
	s15 =	simm.s32 $0x7680;
	s16 =	simm.s32 $0xC580  }
0x4: {  	s17 =	simm.s32 $0x9E00;
	s18 =	simm.s32 $0x80;
	s19 =	simm.s32 $0x400  }
0x5: {  	s20 =	simm.s32 $0xED80;
	s21 =	simm.s32 $0xF000;
	s22 =	simm.s32 $0x0  }
0x6: {  	s5 =	sand.u32 $0x1, s0;
	s0 =	stileid.u32;
	[smem:$0x7FF] =	sst s2  }
0x7: {  	s3 =	sadd.s32 $0x14200, s6;
	s4 =	sadd.s32 $0x14800, s6;
	s8 =	smul.u32 $0x280, s0  }
0x8: {  	s1 =	sshll.u32 s5, $0x4;
	s10 =	smul.u32 $0x2800, s5;
	s5 =	ssub.s32 $0x2, s5  }
0x9: {  	s11 =	sshrl.u32 s0, $0x3;
	s30 =	smul.u32 $0x5000, s0;
	s31 =	sshll.u32 s0, $0x7  }
0xa: {  	s1 =	sor.u32 s0, s1;
	s28 =	sshrl.u32 s5, $0x1;
	s29 =	smul.u32 $0x50000, s11  }
0xb: {  	s11 =	sand.u32 $0x380, s31;
	s7 =	smul.u32 $0x4E2, s1;
	s1 =	rddreg [dreg:$0x2]  }
0xc: {  	_ =	strace $0x80000047;
	s8 =	sadd.s32 s8, s10;
	s13 =	ssub.s32 s5, s28  }
0xd: {  	s10 =	sshrl.u32 s30, $0x2;
	s8 =	sshrl.u32 s8, $0x3;
	s7 =	sadd.s32 s7, s6  }
0xe: {  	s12 =	sadd.s32 s8, s6;
	s8 =	sshrl.u32 s29, $0x2;
	s5 =	sadd.s32 $0xA400, s7  }
0xf: {  	s6 =	sadd.s32 $0x600, s7;
	s7 =	sadd.s32 $0x14E00, s7;
	s8 =	sadd.s32 s8, s9  }
0x10: {  	s9 =	sadd.s32 s10, s9;
	s10 =	sadd.s32 $0x1EC00, s12;
	s12 =	simm.s32 $0x1  }
0x11: {  	v0 =	vimm.f32 $0.0e+00;
	s8 =	sadd.s32 s11, s8;
	s11 =	smax.u32 s13, $0x1;
	s13 =	simm.s32 $0x2780  }
.LBB2_1:
0x12: {  	[tilespmem:s2], [sflag:$0x1] =	stream.linear.gather [hbm4b:s5+s2], $0x2710, $0x38;
	[tilespmem:$0x11A80] =	vst v63  }
0x13: {  	_ =	swait.ge [sflag:s12], $0x2710  }
0x14: {  	[sflag:s12] =	ssyncset.done $0x0  }
0x15: {  	[sflag:s12] =	ssyncadd.s32 $0xFFFFD8F0  }
0x16: {  	[tilespmem:s13], [sflag:$0x1] =	stream.linear.gather [hbm4b:s6+s2], $0x2710, $0x38;
	[tilespmem:$0x11A80] =	vst v63  }
0x17: {  	_ =	swait.ge [sflag:s12], $0x2710  }
0x18: {  	[sflag:s12] =	ssyncset.done $0x0  }
0x19: {  	[sflag:s12] =	ssyncadd.s32 $0xFFFFD8F0  }
0x1a: {  	[tilespmem:s14], [sflag:$0x1] =	stream.linear.gather [hbm4b:s3+s2], $0x2780, $0x38;
	[tilespmem:$0x11A80] =	vst v63  }
0x1b: {  	_ =	swait.ge [sflag:s12], $0x2780  }
0x1c: {  	[sflag:s12] =	ssyncset.done $0x0  }
0x1d: {  	[sflag:s12] =	ssyncadd.s32 $0xFFFFD880  }
0x1e: {  	[tilespmem:s15], [sflag:$0x1] =	stream.linear.gather [hbm4b:s4+s2], $0x2780, $0x38;
	[tilespmem:$0x11A80] =	vst v63  }
0x1f: {  	_ =	swait.ge [sflag:s12], $0x2780  }
0x20: {  	[sflag:s12] =	ssyncset.done $0x0  }
0x21: {  	s23 =	simm.s32 $0x0;
	[sflag:s12] =	ssyncadd.s32 $0xFFFFD880  }
.LBB2_2:
0x22: {  	p0 =	sne.s32 s23, $0x9FC0  }
.Ltmp0:
0x23: {  	_ = 	snop;
	(pc) =	sbr.rel @p0 .LBB2_2-.Ltmp0, $3  }
0x24: {  	_ =	sdelay $0x1  }
0x25: {  	s24 =	sshra.s32 s23, $0x2  }
0x26: {  	s23 =	sadd.s32 $0x40, s23;
	[tilespmem:s24+$0xC580] =	vst v0  }
0x27: {  	s23 =	simm.s32 $0x0  }
0x28: {  	v1 =	vld [tilespmem:s23+$0x2780]  }
0x29: {  	s24 =	simm.s32 $0x40;
	v2 =	vld [tilespmem:s23+$0x0]  }
.LBB2_4:
0x2a: {  	p0 =	sne.s32 s24, $0x9C00;
	_ =	sdelay $0x5  }
0x2b: {  	v3 =	vld.idx.msk [tilespmem:v1+s15+$0x0], $0xffff  }
0x2c: {  	v2 =	vld.idx.msk [tilespmem:v2+s14+$0x0], $0xffff;
	_ =	sdelay $0x5  }
0x2d: {  	v2 =	vadd.f32 v3, v2;
	_ =	sdelay $0x1  }
0x2e: {  	v3 =	vmul.f32 $2.000000030e-01, v2  }
0x2f: {  	vm0 =	vgt.f32 v2, $0.0e+00  }
0x30: {  	v2 =	vsel vm0, v2, v3  }
0x31: {  	v2 =	vmul.f32 $1.442695020e+00, v2;
	_ =	sdelay $0x1  }
0x32: {  	(erf) = vpow2.f32 v2;
	_ =	sdelay $0x8  }
.Ltmp1:
0x33: {  	v2 =	vpop (erf);
	(pc) =	sbr.rel @p0 .LBB2_4-.Ltmp1, $4  }
0x34: {  	[tilespmem:s23+$0x9E00] =	vst v2  }
0x35: {  	s23 =	sshra.s32 s24, $0x2;
	[tilespmem:v1+s16+$0x0] =	vst.idx.add.f32.msk $0xffff, v2  }
0x36: {  	v1 =	vld [tilespmem:s23+$0x2780]  }
0x37: {  	s24 =	sadd.s32 $0x40, s24;
	v2 =	vld [tilespmem:s23+$0x0]  }
0x38: {  	_ =	sdelay $0x6  }
0x39: {  	v3 =	vld.idx.msk [tilespmem:v1+s15+$0x0], $0xffff  }
0x3a: {  	v2 =	vld.idx.msk [tilespmem:v2+s14+$0x0], $0xffff;
	_ =	sdelay $0x4  }
0x3b: {  	v2 =	vadd.f32 v3, v2;
	_ =	sdelay $0x1  }
0x3c: {  	v3 =	vmul.f32 $2.000000030e-01, v2  }
0x3d: {  	vm0 =	vgt.f32 v2, $0.0e+00  }
0x3e: {  	v2 =	vsel vm0, v2, v3  }
0x3f: {  	v2 =	vmul.f32 $1.442695020e+00, v2;
	_ =	sdelay $0x1  }
0x40: {  	(erf) = vpow2.f32 v2;
	_ =	sdelay $0x8  }
0x41: {  	v2 =	vpop (erf)  }
0x42: {  	[tilespmem:s23+$0x9E00] =	vst v2  }
0x43: {  	s23 =	simm.s32 $0x0;
	[tilespmem:v1+s16+$0x0] =	vst.idx.add.f32.msk $0xffff, v2  }
0x44: {  	[hbm4b:s7+s23] =	stream.linear.scatter [tilespmem:s17], [sflag:$0x1], $0x2710, $0x38;
	[tilespmem:$0x11A80] =	vst v63  }
0x45: {  	_ =	swait.ge [sflag:s12], $0x2710  }
0x46: {  	[sflag:s12] =	ssyncset.done $0x0  }
0x47: {  	[sflag:s12] =	ssyncadd.s32 $0xFFFFD8F0  }
0x48: {  	[spmem:s8] =	stream.strided.scatter [tilespmem:s16], [sflag:$0x1], $0x2800, s19, s18, $0x38;
	[tilespmem:$0x11A80] =	vst v63  }
0x49: {  	_ =	swait.ge [sflag:s12], $0x2800  }
0x4a: {  	[sflag:s12] =	ssyncset.done $0x0  }
0x4b: {  	[sflag:s12] =	ssyncadd.s32 $0xFFFFD800  }
0x4c: {  	[bflag:$0x0] =	sbarrier.arrive $0xFFFF  }
0x4d: {  	[tilespmem:$0xF000] =	vst v0  }
0x4e: {  	[tilespmem:$0xF010] =	vst v0  }
0x4f: {  	[tilespmem:$0xF020] =	vst v0  }
0x50: {  	[tilespmem:$0xF030] =	vst v0  }
0x51: {  	[tilespmem:$0xF040] =	vst v0  }
0x52: {  	[tilespmem:$0xF050] =	vst v0  }
0x53: {  	[tilespmem:$0xF060] =	vst v0  }
0x54: {  	[tilespmem:$0xF070] =	vst v0  }
0x55: {  	[tilespmem:$0xF080] =	vst v0  }
0x56: {  	[tilespmem:$0xF090] =	vst v0  }
0x57: {  	[tilespmem:$0xF0A0] =	vst v0  }
0x58: {  	[tilespmem:$0xF0B0] =	vst v0  }
0x59: {  	[tilespmem:$0xF0C0] =	vst v0  }
0x5a: {  	[tilespmem:$0xF0D0] =	vst v0  }
0x5b: {  	[tilespmem:$0xF0E0] =	vst v0  }
0x5c: {  	[tilespmem:$0xF0F0] =	vst v0  }
0x5d: {  	[tilespmem:$0xF100] =	vst v0  }
0x5e: {  	[tilespmem:$0xF110] =	vst v0  }
0x5f: {  	[tilespmem:$0xF120] =	vst v0  }
0x60: {  	[tilespmem:$0xF130] =	vst v0  }
0x61: {  	[tilespmem:$0xF140] =	vst v0  }
0x62: {  	[tilespmem:$0xF150] =	vst v0  }
0x63: {  	[tilespmem:$0xF160] =	vst v0  }
0x64: {  	[tilespmem:$0xF170] =	vst v0  }
0x65: {  	[tilespmem:$0xF180] =	vst v0  }
0x66: {  	[tilespmem:$0xF190] =	vst v0  }
0x67: {  	[tilespmem:$0xF1A0] =	vst v0  }
0x68: {  	[tilespmem:$0xF1B0] =	vst v0  }
0x69: {  	[tilespmem:$0xF1C0] =	vst v0  }
0x6a: {  	[tilespmem:$0xF1D0] =	vst v0  }
0x6b: {  	[tilespmem:$0xF1E0] =	vst v0  }
0x6c: {  	[tilespmem:$0xF1F0] =	vst v0  }
0x6d: {  	[tilespmem:$0xF200] =	vst v0  }
0x6e: {  	[tilespmem:$0xF210] =	vst v0  }
0x6f: {  	[tilespmem:$0xF220] =	vst v0  }
0x70: {  	[tilespmem:$0xF230] =	vst v0  }
0x71: {  	[tilespmem:$0xF240] =	vst v0  }
0x72: {  	[tilespmem:$0xF250] =	vst v0  }
0x73: {  	[tilespmem:$0xF260] =	vst v0  }
0x74: {  	[tilespmem:$0xF270] =	vst v0  }
.LBB2_6:
0x75: {  	s24 =	sshrl.u32 s23, $0x3  }
0x76: {  	s24 =	smul.u32 $0x50000, s24;
	_ =	sdelay $0x1  }
0x77: {  	s25 =	sshll.u32 s23, $0x7;
	s24 =	sshra.s32 s24, $0x2  }
0x78: {  	s25 =	sand.u32 $0x380, s25;
	s24 =	sadd.s32 s24, s9  }
0x79: {  	s24 =	sadd.s32 s25, s24  }
0x7a: {  	[tilespmem:s20], [sflag:$0x1] =	stream.strided.gather [spmem:s24], $0x280, s19, s18, $0x38;
	[tilespmem:$0x11A80] =	vst v63  }
0x7b: {  	_ =	swait.ge [sflag:s12], $0x280  }
0x7c: {  	[sflag:s12] =	ssyncset.done $0x0  }
0x7d: {  	s24 =	simm.s32 $0x0;
	[sflag:s12] =	ssyncadd.s32 $0xFFFFFD80  }
0x7e: {  	s25 =	simm.s32 $0x40;
	v1 =	vld [tilespmem:s24+$0xED80]  }
.LBB2_7:
0x7f: {  	p0 =	sne.s32 s25, $0x9C0;
	v2 =	vld [tilespmem:s24+$0xF000];
	_ =	sdelay $0x2  }
.Ltmp2:
0x80: {  	(pc) =	sbr.rel @p0 .LBB2_7-.Ltmp2, $4  }
0x81: {  	_ = 	snop  }
0x82: {  	v2 =	vadd.f32 v1, v2  }
0x83: {  	s26 =	sshra.s32 s25, $0x2  }
0x84: {  	s25 =	sadd.s32 $0x40, s25;
	v1 =	vld [tilespmem:s26+$0xED80];
	[tilespmem:s24+$0xF000] =	vst v2;
	s24 =	smov.u32 s26  }
0x85: {  	v2 =	vld [tilespmem:s24+$0xF000]  }
0x86: {  	s23 =	sadd.s32 $0x1, s23  }
0x87: {  	p0 =	sne.s32 s23, $0x10  }
.Ltmp3:
0x88: {  	_ = 	snop;
	(pc) =	sbr.rel @p0 .LBB2_6-.Ltmp3, $3  }
0x89: {  	_ = 	snop  }
0x8a: {  	v1 =	vadd.f32 v1, v2;
	_ =	sdelay $0x1  }
0x8b: {  	[tilespmem:s24+$0xF000] =	vst v1  }
0x8c: {  	s22 =	sadd.s32 $0x1, s22  }
0x8d: {  	p0 =	sne.s32 s22, s11  }
.Ltmp4:
0x8e: {  	_ = 	snop;
	(pc) =	sbr.rel @p0 .LBB2_1-.Ltmp4, $4  }
0x8f: {  	[hbm4b:s10+s2] =	stream.linear.scatter [tilespmem:s21], [sflag:$0x1], $0x280, $0x38;
	[tilespmem:$0x11A80] =	vst v63  }
0x90: {  	_ =	swait.ge [sflag:s12], $0x280  }
0x91: {  	[sflag:s12] =	ssyncset.done $0x0  }
0x92: {  	[sflag:s12] =	ssyncadd.s32 $0xFFFFFD80  }
0x93: {  	_ =	sfence.sel $0x180000  }
0x94: {  	[bflag:$0x0] =	sbarrier.arrive $0xFFFF  }
0x95: {  	p0 =	sne.s32 s0, $0x0;
	_ =	strace $0x90000047  }
0x96: {  	s0 =	sadd.s32 @!p0 $0x100000, s1;
	[bflag:$0x2] =	sbarrier.arrive $0xFFFF  }
0x97: {  	[sflag:s0] =	ssyncadd.tile.s32 @!p0 $0x1;
	_ =	shalt  }
.Lfunc_end2:
_tile_overlayer_lowered:
.L_overlay_start_2:
0x98: {  	(tag) =	ssettag $0x2  }
0x99: {  	s0 =	rddreg [dreg:$0x0];
	s2 =	stileid.u32  }
0x9a: {  	s1 =	rddreg [dreg:$0x1];
	p0 =	sne.s32 s2, $0x0  }
0x9b: {  	s3 =	rddreg [dreg:$0x2];
	[bflag:$0x3] =	sbarrier.arrive $0xFFFF;
	s2 =	simm.s32 @!p0 $0x1C01  }
0x9c: {  	[timem:s3], [sflag:s2] =	dma.local @!p0 [hbm:s0], s1  }
0x9d: {  	s0 =	simm.s32 @!p0 $0x1  }
0x9e: {  	_ =	swait.ge @!p0 [sflag:s0], s1  }
0x9f: {  	s1 =	ssub.s32 @!p0 $0x0, s1;
	[sflag:s0] =	ssyncset.done @!p0 $0x0  }
0xa0: {  	[sflag:s0] =	ssyncadd.s32 @!p0 s1  }
0xa1: {  	[bflag:$0x3] =	sbarrier.arrive $0xFFFF  }
0xa2: {  	_ =	shalt  }

// kernel: kernel.9.cloned.1.call-start
scs
__scs_entry_jumppad:
0x0: {  	(pc) =	sbr.rel $0x88, $3  }
0x1: {  	(tag) =	ssettag $0x0;
	lr =	simm.s32 $0x1  }
0x2: {  	[smem:$0x3F9C] =	sst lr;
	_ =	strace $0xD0000000  }
0x3: {  	_ = 	snop  }
0x4: {  	_ = 	snop  }
0x5: {  	_ = 	snop  }
0x6: {  	_ = 	snop  }
0x7: {  	_ = 	snop  }
__scs_overlays_trampoline_lowered:
0x8: {  	[smem:$0x3FAB] =	sst s0  }
0x9: {  	[smem:$0x3FAC] =	sst s1  }
0xa: {  	[smem:$0x3FAD] =	sst s2  }
0xb: {  	[smem:$0x3FAE] =	sst s3  }
0xc: {  	[smem:$0x3FAF] =	sst s4  }
0xd: {  	[smem:$0x3FB0] =	sst s5  }
0xe: {  	[smem:$0x3FB1] =	sst s6  }
0xf: {  	[smem:$0x3FB2] =	sst s7  }
0x10: {  	[smem:$0x3FB3] =	sst s8  }
0x11: {  	[smem:$0x3FB4] =	sst s9;
	s0 =	simm.s32 @!p0 $0x0  }
0x12: {  	s1 =	sld [smem:$0x3F9A];
	s0 =	simm.s32 @p0 $0x1  }
0x13: {  	[smem:$0x3FB5] =	sst s0;
	s0 =	simm.s32 @!p1 $0x0  }
0x14: {  	s2 =	sld [smem:$0x3F99];
	s0 =	simm.s32 @p1 $0x1  }
0x15: {  	[smem:$0x3FB6] =	sst s0;
	s0 =	simm.s32 @!p2 $0x0  }
0x16: {  	s3 =	sld [smem:$0x3FDB];
	s0 =	simm.s32 @p2 $0x1  }
0x17: {  	s4 =	simm.s32 $0x1BF5;
	[smem:$0x3FB8] =	sst s0  }
0x18: {  	s0 =	sld [smem:$0x3F9B];
	_ =	swait.ge [sflag:s4], $0x0  }
0x19: {  	s7 =	sld [smem:$0x3F9C]  }
0x1a: {  	s8 =	sadd.s32 $0xFFFFE003, lr  }
0x1b: {  	s9 =	sadd.s32 $0xFFFFFEF7, lr;
	s5 =	simm.s32 $0xFFFFFFFF;
	p2 =	slt.u32 s8, $0xFFFFF086  }
0x1c: {  	p1 =	slt.u32 s9, $0xF7A;
	s5 =	simm.s32 @!p2 $0x0  }
0x1d: {  	s5 =	simm.s32 @p1 $0x1;
	p0 =	seq.s32 s7, s2  }
0x1e: {  	s7 =	smul.u32 @!p0 $0xF7A, s2;
	p2 =	seq.s32 @!p0 s5, $0x0  }
0x1f: {  	s9 =	smul.u32 $0xF7A, s1;
	s8 =	simm.s32 @!p0 $0x1BF5;
	p2 =	por !p2, p0  }
0x20: {  	[sflag:s8] =	ssyncset.s32 @!p0 $0xFFFFF086;
	s6 =	sadd.s32 @!p0 s3, s7;
	s7 =	simm.s32 @!p0 $0x108  }
0x21: {  	s3 =	sadd.s32 s3, s9;
	s6 =	sadd.s32 @!p0 $0x88, s6;
	s7 =	simm.s32 @p2 $0x1082  }
0x22: {  	[simem:s7], [sflag:s8] =	dma.local @!p0 [hbm:s6], $0xF7A  }
0x23: {  	s9 =	sor.u32 $0xD0000000, s2;
	s6 =	simm.s32 $0x108;
	_ =	swait.ge @!p0 [sflag:s8], $0x0  }
0x24: {  	s3 =	sadd.s32 $0x88, s3;
	s6 =	simm.s32 @!p1 $0x1082;
	[sflag:s4] =	ssyncset.s32 $0xFFFFF086  }
0x25: {  	[simem:s6], [sflag:s4] =	dma.local [hbm:s3], $0xF7A  }
0x26: {  	[smem:$0x3F9C] =	sst s1;
	(tag) =	ssettag s2;
	_ =	strace s9  }
0x27: {  	s1 =	sld [smem:$0x3FAC]  }
0x28: {  	s2 =	sld [smem:$0x3FAD]  }
0x29: {  	s4 =	sld [smem:$0x3FAF]  }
0x2a: {  	p0 =	seq.s32 s5, $0x0;
	s5 =	sld [smem:$0x3FB0]  }
0x2b: {  	s6 =	sld [smem:$0x3FB1]  }
0x2c: {  	s7 =	sld [smem:$0x3FB2]  }
0x2d: {  	s3 =	simm.s32 $0x108;
	s8 =	sld [smem:$0x3FB3]  }
0x2e: {  	s3 =	simm.s32 @!p0 $0x1082;
	s9 =	sld [smem:$0x3FB4]  }
0x2f: {  	lr =	sadd.s32 s0, s3;
	s0 =	sld [smem:$0x3FAB]  }
0x30: {  	s3 =	sld [smem:$0x3FAE]  }
0x31: {  	[smem:$0x3FB7] =	sst s10  }
0x32: {  	s10 =	sld [smem:$0x3FB5];
	_ =	sdelay $0x3  }
0x33: {  	p0 =	seq.s32 s10, $0x1;
	s10 =	sld [smem:$0x3FB7];
	_ =	sdelay $0x3  }
0x34: {  	[smem:$0x3FB7] =	sst s10  }
0x35: {  	s10 =	sld [smem:$0x3FB6];
	_ =	sdelay $0x3  }
0x36: {  	p1 =	seq.s32 s10, $0x1;
	s10 =	sld [smem:$0x3FB7];
	_ =	sdelay $0x3  }
0x37: {  	[smem:$0x3FB7] =	sst s10  }
0x38: {  	s10 =	sld [smem:$0x3FB8]  }
0x39: {  	_ = 	snop;
	(pc) =	sbr.ind lr, $3  }
0x3a: {  	_ = 	snop  }
0x3b: {  	_ = 	snop  }
0x3c: {  	p2 =	seq.s32 s10, $0x1;
	s10 =	sld [smem:$0x3FB7]  }
0x3d: {  	_ =	shalt  }
0x3e: {  	_ =	shalt  }
0x3f: {  	_ =	shalt  }
0x40: {  	_ =	shalt  }
0x41: {  	_ =	shalt  }
0x42: {  	_ =	shalt  }
0x43: {  	_ =	shalt  }
0x44: {  	_ =	shalt  }
0x45: {  	_ =	shalt  }
0x46: {  	_ =	shalt  }
0x47: {  	_ =	shalt  }
0x48: {  	_ =	shalt  }
0x49: {  	_ =	shalt  }
0x4a: {  	_ =	shalt  }
0x4b: {  	_ =	shalt  }
0x4c: {  	_ =	shalt  }
0x4d: {  	_ =	shalt  }
0x4e: {  	_ =	shalt  }
0x4f: {  	_ =	shalt  }
0x50: {  	_ =	shalt  }
0x51: {  	_ =	shalt  }
0x52: {  	_ =	shalt  }
0x53: {  	_ =	shalt  }
0x54: {  	_ =	shalt  }
0x55: {  	_ =	shalt  }
0x56: {  	_ =	shalt  }
0x57: {  	_ =	shalt  }
0x58: {  	_ =	shalt  }
0x59: {  	_ =	shalt  }
0x5a: {  	_ =	shalt  }
0x5b: {  	_ =	shalt  }
0x5c: {  	_ =	shalt  }
0x5d: {  	_ =	shalt  }
0x5e: {  	_ =	shalt  }
0x5f: {  	_ =	shalt  }
0x60: {  	_ =	shalt  }
0x61: {  	_ =	shalt  }
0x62: {  	_ =	shalt  }
0x63: {  	_ =	shalt  }
0x64: {  	_ =	shalt  }
0x65: {  	_ =	shalt  }
0x66: {  	_ =	shalt  }
0x67: {  	_ =	shalt  }
0x68: {  	_ =	shalt  }
0x69: {  	_ =	shalt  }
0x6a: {  	_ =	shalt  }
0x6b: {  	_ =	shalt  }
0x6c: {  	_ =	shalt  }
0x6d: {  	_ =	shalt  }
0x6e: {  	_ =	shalt  }
0x6f: {  	_ =	shalt  }
0x70: {  	_ =	shalt  }
0x71: {  	_ =	shalt  }
0x72: {  	_ =	shalt  }
0x73: {  	_ =	shalt  }
0x74: {  	_ =	shalt  }
0x75: {  	_ =	shalt  }
0x76: {  	_ =	shalt  }
0x77: {  	_ =	shalt  }
0x78: {  	_ =	shalt  }
0x79: {  	_ =	shalt  }
0x7a: {  	_ =	shalt  }
0x7b: {  	_ =	shalt  }
0x7c: {  	_ =	shalt  }
0x7d: {  	_ =	shalt  }
0x7e: {  	_ =	shalt  }
0x7f: {  	_ =	shalt  }
0x80: {  	_ =	shalt  }
0x81: {  	_ =	shalt  }
0x82: {  	_ =	shalt  }
0x83: {  	_ =	shalt  }
0x84: {  	_ =	shalt  }
0x85: {  	_ =	shalt  }
0x86: {  	_ =	shalt  }
0x87: {  	_ =	shalt  }
.Lfunc_end0:
.L_simem_size_0:
called_computation.1_lowered:
.L_overlay_start_0:
0x88: {  	s2 =	sld [smem:$0x3FD9]  }
0x89: {  	s3 =	sld [smem:$0x3FFE];
	_ =	sdelay $0x1  }
0x8a: {  	s1 =	srdreg.scid  }
0x8b: {  	s0 =	sand.u32 $0x1, s1  }
0x8c: {  	s17 =	sshll.u32 s0, $0xA;
	s2 =	sadd.s32 s3, s2  }
0x8d: {  	s2 =	sadd.s32 s2, s17  }
0x8e: {  	[smem:$0x3FC3] =	sst s2  }
0x8f: {  	_ = 	snop  }
0x90: {  	s2 =	sld [smem:$0x3FD0];
	(tm) =	ssettm $0x1  }
0x91: {  	s18 =	sld [smem:$0x3FFB];
	_ =	sdelay $0x3  }
0x92: {  	_ =	strace s18  }
0x93: {  	s3 =	sld [smem:$0x3FFC];
	_ =	sdelay $0x3  }
0x94: {  	_ =	strace s3  }
0x95: {  	s3 =	sld [smem:$0x3FFD];
	_ =	sdelay $0x3  }
0x96: {  	_ =	strace s3  }
0x97: {  	_ =	strace $0x8FFFFFFF  }
0x98: {  	s19 =	sld [smem:$0x3FDB];
	_ =	sdelay $0x1  }
0x99: {  	s4 =	simm.s32 $_scs_section_size  }
0x9a: {  	s5 =	simm.s32 $_size__tile_overlayer_lowered;
	s6 =	simm.s32 $_tile_overlayer_lowered  }
0x9b: {  	s22 =	simm.s32 $0x1BFF;
	s21 =	sshll.u32 s6, $0x1;
	s3 =	sadd.s32 s4, s19  }
0x9c: {  	s7 =	simm.s32 $0x0;
	s20 =	sshll.u32 s5, $0x1;
	s5 =	sadd.s32 s21, s3  }
0x9d: {  	[timem:s7], [sflag:s22] =	dma.local [hbm:s5], s20  }
0x9e: {  	_ =	swait.ge [sflag:s22], s20  }
0x9f: {  	s4 =	ssub.s32 $0x0, s20;
	[sflag:s22] =	ssyncset.done $0x0  }
0xa0: {  	[sflag:s22] =	ssyncadd.s32 s4;
	_ =	sdelay $0x1  }
0xa1: {  	s23 =	simm.s32 $0x1B8B  }
0xa2: {  	_ =	swait.ge [sflag:s23], $0x1  }
0xa3: {  	[sflag:s23] =	ssyncset.done $0x0  }
0xa4: {  	s25 =	simm.s32 $0x1B8E;
	s24 =	sld [smem:$0x3FFE];
	[sflag:s23] =	ssyncadd.s32 $0xFFFFFFFF  }
0xa5: {  	s26 =	simm.s32 $execute0_lowered;
	[smem:$0x3FD2] =	sst s25  }
0xa6: {  	s5 =	sshll.u32 s26, $0x1;
	_ =	strace $0x80000049;
	[dreg:$0x1] =	wrdreg $0xFFFFFFFF  }
0xa7: {  	s28 =	simm.s32 $_size_execute0_lowered;
	s3 =	sadd.s32 s3, s5;
	[dreg:$0x0] =	wrdreg $0x0  }
0xa8: {  	s5 =	sshll.u32 s28, $0x1;
	[dreg:$0x2] =	wrdreg s3  }
0xa9: {  	[dreg:$0x3] =	wrdreg s5  }
0xaa: {  	[dreg:$0x4] =	wrdreg $0xC0  }
0xab: {  	_ =	task [dreg:s7], $0x5FFFF  }
0xac: {  	[dreg:$0x1] =	wrdreg $0xFFFFFFFF  }
0xad: {  	[dreg:$0x0] =	wrdreg $0x60  }
0xae: {  	[dreg:$0x2] =	wrdreg s24  }
0xaf: {  	[dreg:$0x3] =	wrdreg s2  }
0xb0: {  	[dreg:$0x4] =	wrdreg $0x9A000  }
0xb1: {  	[dreg:$0x5] =	wrdreg $0x9  }
0xb2: {  	_ =	task.clear_ibuf [dreg:s7], $0x6FFFF;
	_ =	strace $0x90000049  }
0xb3: {  	s29 =	simm.s32 $0x9;
	_ =	strace $0x8000004B  }
0xb4: {  	_ =	swait.ge [sflag:s29], $0x1  }
0xb5: {  	[sflag:s29] =	ssyncadd.s32 $0xFFFFFFFF  }
0xb6: {  	_ =	strace $0x9000004B  }
0xb7: {  	_ =	sfence  }
0xb8: {  	s30 =	sld [smem:$0x0];
	_ =	sdelay $0x2  }
0xb9: {  	s31 =	sshll.u32 s1, $0xD;
	s1 =	sshrl.u32 s1, $0x2  }
0xba: {  	s3 =	sand.u32 $0x4000, s31;
	s1 =	sadd.s32 s1, s30  }
0xbb: {  	s0 =	sor.u32 s3, s0;
	s1 =	sshll.u32 s1, $0x11  }
0xbc: {  	s0 =	sor.u32 s1, s0  }
0xbd: {  	s0 =	sadd.s32 $0x8F2B, s0  }
0xbe: {  	[sflag:s0] =	ssyncadd.remote.s32 $0x1  }
0xbf: {  	_ =	sfence.sel $0xFFFF  }
0xc0: {  	[dreg:$0x0] =	wrdreg $0xFFFFFFFF;
	(pc) =	sbr.abs _section_cstart, $3  }
0xc1: {  	[dreg:$0x1] =	wrdreg $0xFFFFFFFF  }
0xc2: {  	_ =	task.clear_ibuf [dreg:s7], $0x2FFFF;
	_ =	strace $0x9FFFFFFF  }
0xc3: {  	(tm) =	ssettm $0x7FFFFFFF  }
tec
execute0_lowered:
.L_overlay_start_1:
0x0: {  	(tag) =	ssettag $0x1  }
0x1: {  	s0 =	rddreg [dreg:$0x0];
	s2 =	srdreg.scid  }
0x2: {  	s1 =	rddreg [dreg:$0x1];
	s15 =	stileid.u32  }
0x3: {  	s6 =	simm.s32 $0x0;
	s2 =	sand.u32 $0x1, s2;
	s5 =	smul.u32 $0x14000, s15  }
0x4: {  	[smem:$0x7FF] =	sst s6;
	s31 =	sadd.s32 $0x1F600, s0;
	s29 =	smul.u32 $0x50000, s15  }
0x5: {  	s3 =	smul.u32 $0x140000, s2;
	s4 =	ssub.s32 $0x2, s2;
	s2 =	sshll.u32 s2, $0x4  }
0x6: {  	s7 =	sshrl.u32 s4, $0x1;
	s8 =	sor.u32 $0x2000, s5;
	s10 =	sadd.s32 $0x4000, s5  }
0x7: {  	s11 =	sadd.s32 $0x8000, s5;
	s23 =	sadd.s32 $0xC000, s5;
	s2 =	sor.u32 s15, s2  }
0x8: {  	s30 =	sshrl.u32 s29, $0x2;
	s15 =	sadd.s32 $0xA400, s0;
	s4 =	ssub.s32 s4, s7  }
0x9: {  	s14 =	sadd.s32 s3, s5;
	s9 =	sadd.s32 s3, s8;
	s17 =	sadd.s32 s3, s10  }
0xa: {  	s12 =	sadd.s32 s3, s11;
	s24 =	sadd.s32 s3, s23;
	s7 =	sshrl.u32 s14, $0x3  }
0xb: {  	s16 =	sshrl.u32 s9, $0x3;
	s18 =	sshrl.u32 s17, $0x3;
	s9 =	sadd.s32 $0x6000, s5  }
0xc: {  	s14 =	sadd.s32 $0xA000, s5;
	s20 =	sshrl.u32 s12, $0x3;
	s17 =	sadd.s32 $0x14E00, s0  }
0xd: {  	s6 =	smax.u32 s4, $0x1;
	s12 =	simm.s32 $0x7A00;
	s7 =	sadd.s32 s31, s7  }
0xe: {  	s19 =	sadd.s32 s3, s9;
	s21 =	sadd.s32 s3, s14;
	[dreg:$0x4] =	wrdreg s7  }
0xf: {  	s7 =	sadd.s32 s31, s16;
	s22 =	sshrl.u32 s21, $0x3;
	s16 =	sadd.s32 $0x600, s0  }
0x10: {  	s21 =	smul.u32 $0x2710, s2;
	[dreg:$0x5] =	wrdreg s7;
	s7 =	sadd.s32 s31, s18  }
0x11: {  	s18 =	sadd.s32 $0xE000, s5;
	[dreg:$0x6] =	wrdreg s7;
	s7 =	sshrl.u32 s19, $0x3  }
0x12: {  	s13 =	sadd.s32 s3, s18;
	s19 =	sadd.s32 $0x10000, s5;
	s5 =	sadd.s32 $0x12000, s5  }
0x13: {  	s7 =	sadd.s32 s31, s7;
	s25 =	sshrl.u32 s13, $0x3;
	s13 =	rddreg [dreg:$0x2]  }
0x14: {  	s26 =	sadd.s32 s3, s19;
	s3 =	sadd.s32 s3, s5;
	[dreg:$0x7] =	wrdreg s7  }
0x15: {  	s7 =	sadd.s32 s31, s20;
	s28 =	sshrl.u32 s26, $0x3;
	s3 =	sshrl.u32 s3, $0x3  }
0x16: {  	s20 =	sadd.s32 s30, s13;
	s9 =	sadd.s32 s9, s13;
	s5 =	sadd.s32 s5, s13  }
0x17: {  	[dreg:$0x8] =	wrdreg s7;
	s7 =	sadd.s32 s31, s22;
	s3 =	sadd.s32 s31, s3  }
0x18: {  	s22 =	sadd.s32 s18, s13;
	s2 =	sadd.s32 $0x4000, s20;
	s4 =	sadd.s32 $0x8000, s20  }
0x19: {  	s18 =	simm.s32 $0x5100;
	[dreg:$0x9] =	wrdreg s7;
	s7 =	sshrl.u32 s24, $0x3  }
0x1a: {  	[dreg:$0xd] =	wrdreg s3;
	s30 =	sshrl.u32 s22, $0x3;
	s7 =	sadd.s32 s31, s7  }
0x1b: {  	s3 =	sadd.s32 $0x6000, s20;
	s22 =	simm.s32 $0x50;
	[dreg:$0xa] =	wrdreg s7  }
0x1c: {  	s7 =	sadd.s32 s31, s25;
	s25 =	sshrl.u32 s9, $0x3;
	s9 =	sadd.s32 $0x12000, s20  }
0x1d: {  	[dreg:$0xb] =	wrdreg s7;
	s7 =	sadd.s32 s31, s28;
	s31 =	sadd.s32 $0x1EC00, s0  }
0x1e: {  	s0 =	sadd.s32 $0x1F100, s0;
	[dreg:$0xc] =	wrdreg s7;
	s7 =	sadd.s32 s8, s13  }
0x1f: {  	s8 =	sadd.s32 s10, s13;
	_ =	strace $0x8000004A;
	[dreg:$0xe] =	wrdreg s31  }
0x20: {  	s10 =	sadd.s32 s11, s13;
	s11 =	sadd.s32 s14, s13;
	[dreg:$0xf] =	wrdreg s0  }
0x21: {  	s14 =	sadd.s32 s23, s13;
	s23 =	sadd.s32 s19, s13;
	[dreg:$0x10] =	wrdreg s6  }
0x22: {  	s19 =	simm.s32 $0x5000;
	s0 =	sshrl.u32 s7, $0x3;
	[dreg:$0x13] =	wrdreg s25  }
0x23: {  	s24 =	sshrl.u32 s8, $0x3;
	s26 =	sshrl.u32 s10, $0x3;
	[dreg:$0x17] =	wrdreg s30  }
0x24: {  	s28 =	sshrl.u32 s11, $0x3;
	s29 =	sshrl.u32 s14, $0x3;
	[dreg:$0x11] =	wrdreg s0  }
0x25: {  	s31 =	sshrl.u32 s23, $0x3;
	s11 =	sshrl.u32 s5, $0x3;
	[dreg:$0x12] =	wrdreg s24  }
0x26: {  	s5 =	sadd.s32 $0xA000, s20;
	s6 =	sadd.s32 $0xC000, s20;
	[dreg:$0x14] =	wrdreg s26  }
0x27: {  	v0 =	vlaneseq.u32;
	s7 =	sadd.s32 $0xE000, s20;
	s8 =	sadd.s32 $0x10000, s20;
	[dreg:$0x15] =	wrdreg s28  }
0x28: {  	v1 =	vimm.f32 $0.0e+00;
	v2 =	vor.u32 $0x10, v0;
	s10 =	simm.s32 $0x2;
	s14 =	simm.s32 $0x5080;
	[dreg:$0x16] =	wrdreg s29  }
0x29: {  	v3 =	vor.u32 $0x20, v0;
	v4 =	vor.u32 $0x30, v0;
	v5 =	vor.u32 $0x40, v0;
	s23 =	simm.s32 $0x5180;
	s25 =	simm.s32 $0x7980;
	[dreg:$0x18] =	wrdreg s31  }
0x2a: {  	v6 =	vor.u32 $0x50, v0;
	v7 =	vor.u32 $0x60, v0;
	v8 =	vor.u32 $0x70, v0;
	s0 =	sadd.s32 $0x2000, s20;
	s24 =	simm.s32 $0x1;
	s26 =	simm.s32 $0x0  }
.LBB2_1:
0x2b: {  	s28 =	simm.s32 $0x0;
	s29 =	rddreg [dreg:$0xe]  }
0x2c: {  	[tilespmem:s28], [sflag:$0x2] =	stream.linear.gather [hbm4b:s29+s28], $0x2800, $0x38;
	[tilespmem:$0x1DA00] =	vst v63  }
0x2d: {  	_ =	swait.ge [sflag:s10], $0x2800  }
0x2e: {  	[sflag:s10] =	ssyncset.done $0x0  }
0x2f: {  	s30 =	simm.s32 $0x2800;
	s29 =	rddreg [dreg:$0xf];
	[sflag:s10] =	ssyncadd.s32 $0xFFFFD800  }
0x30: {  	[tilespmem:s30], [sflag:$0x2] =	stream.linear.gather [hbm4b:s29+s28], $0x2800, $0x38;
	[tilespmem:$0x1DA00] =	vst v63  }
0x31: {  	_ =	swait.ge [sflag:s10], $0x2800  }
0x32: {  	[sflag:s10] =	ssyncset.done $0x0  }
0x33: {  	s28 =	simm.s32 $0x0;
	[sflag:s10] =	ssyncadd.s32 $0xFFFFD800  }
0x34: {  	s29 =	simm.s32 $0x40;
	v9 =	vld [tilespmem:s28+$0x2800]  }
.LBB2_2:
0x35: {  	p0 =	sne.s32 s29, $0x9FC0;
	v10 =	vld [tilespmem:s28+$0x0];
	_ =	sdelay $0x2  }
.Ltmp0:
0x36: {  	(pc) =	sbr.rel @p0 .LBB2_2-.Ltmp0, $4  }
0x37: {  	_ = 	snop  }
0x38: {  	v10 =	vadd.f32 v9, v10  }
0x39: {  	s30 =	sshra.s32 s29, $0x2  }
0x3a: {  	s29 =	sadd.s32 $0x40, s29;
	v9 =	vld [tilespmem:s30+$0x2800];
	[tilespmem:s28+$0x0] =	vst v10;
	s28 =	smov.u32 s30  }
0x3b: {  	v10 =	vld [tilespmem:s28+$0x0];
	_ =	sdelay $0x1  }
0x3c: {  	s29 =	simm.s32 $0x0  }
0x3d: {  	v12 =	vor.u32 s29, v0;
	_ =	sdelay $0x1  }
0x3e: {  	v14 =	vor.u32 s29, v2;
	v9 =	vadd.f32 v9, v10  }
0x3f: {  	v11 =	vor.u32 s29, v3  }
0x40: {  	v10 =	vor.u32 s29, v4;
	[tilespmem:s28+$0x0] =	vst v9  }
0x41: {  	[tilespmem:v12+s12+$0x0] =	vst.idx.msk $0xffff, v1;
	v12 =	vor.u32 s29, v5  }
0x42: {  	v13 =	vor.u32 s29, v6  }
0x43: {  	v9 =	vor.u32 s29, v8;
	s28 =	simm.s32 $0x1;
	[tilespmem:v14+s12+$0x0] =	vst.idx.msk $0xffff, v1;
	v14 =	vor.u32 s29, v7  }
.LBB2_4:
0x44: {  	s29 =	sshll.u32 s28, $0x7;
	p0 =	sne.s32 s28, $0x3F;
	s28 =	sadd.s32 $0x1, s28;
	[tilespmem:v11+s12+$0x0] =	vst.idx.msk $0xffff, v1  }
0x45: {  	v15 =	vor.u32 s29, v0;
	v16 =	vor.u32 s29, v8;
	[tilespmem:v10+s12+$0x0] =	vst.idx.msk $0xffff, v1  }
0x46: {  	v17 =	vor.u32 s29, v2;
	[tilespmem:v12+s12+$0x0] =	vst.idx.msk $0xffff, v1  }
.Ltmp1:
0x47: {  	v11 =	vor.u32 s29, v3;
	[tilespmem:v13+s12+$0x0] =	vst.idx.msk $0xffff, v1;
	(pc) =	sbr.rel @p0 .LBB2_4-.Ltmp1, $4  }
0x48: {  	v10 =	vor.u32 s29, v4;
	[tilespmem:v14+s12+$0x0] =	vst.idx.msk $0xffff, v1  }
0x49: {  	v12 =	vor.u32 s29, v5;
	[tilespmem:v9+s12+$0x0] =	vst.idx.msk $0xffff, v1;
	v9 =	vmov v16  }
0x4a: {  	v13 =	vor.u32 s29, v6;
	[tilespmem:v15+s12+$0x0] =	vst.idx.msk $0xffff, v1  }
0x4b: {  	v14 =	vor.u32 s29, v7;
	[tilespmem:v17+s12+$0x0] =	vst.idx.msk $0xffff, v1  }
0x4c: {  	_ =	sdelay $0x3  }
0x4d: {  	[tilespmem:v11+s12+$0x0] =	vst.idx.msk $0xffff, v1  }
0x4e: {  	[tilespmem:v10+s12+$0x0] =	vst.idx.msk $0xffff, v1  }
0x4f: {  	[tilespmem:v12+s12+$0x0] =	vst.idx.msk $0xffff, v1  }
0x50: {  	[tilespmem:v13+s12+$0x0] =	vst.idx.msk $0xffff, v1  }
0x51: {  	[tilespmem:v14+s12+$0x0] =	vst.idx.msk $0xffff, v1  }
0x52: {  	[tilespmem:v9+s12+$0x0] =	vst.idx.msk $0xffff, v1  }
0x53: {  	[spmem:s20] =	stream.linear.scatter [tilespmem:s12], [sflag:$0x2], $0x2000, $0x38;
	[tilespmem:$0x1DA00] =	vst v63  }
0x54: {  	_ =	swait.ge [sflag:s10], $0x2000  }
0x55: {  	[sflag:s10] =	ssyncset.done $0x0  }
0x56: {  	[sflag:s10] =	ssyncadd.s32 $0xFFFFE000  }
0x57: {  	[spmem:s0] =	stream.linear.scatter [tilespmem:s12], [sflag:$0x2], $0x2000, $0x38;
	[tilespmem:$0x1DA00] =	vst v63  }
0x58: {  	_ =	swait.ge [sflag:s10], $0x2000  }
0x59: {  	[sflag:s10] =	ssyncset.done $0x0  }
0x5a: {  	[sflag:s10] =	ssyncadd.s32 $0xFFFFE000  }
0x5b: {  	[spmem:s2] =	stream.linear.scatter [tilespmem:s12], [sflag:$0x2], $0x2000, $0x38;
	[tilespmem:$0x1DA00] =	vst v63  }
0x5c: {  	_ =	swait.ge [sflag:s10], $0x2000  }
0x5d: {  	[sflag:s10] =	ssyncset.done $0x0  }
0x5e: {  	[sflag:s10] =	ssyncadd.s32 $0xFFFFE000  }
0x5f: {  	[spmem:s3] =	stream.linear.scatter [tilespmem:s12], [sflag:$0x2], $0x2000, $0x38;
	[tilespmem:$0x1DA00] =	vst v63  }
0x60: {  	_ =	swait.ge [sflag:s10], $0x2000  }
0x61: {  	[sflag:s10] =	ssyncset.done $0x0  }
0x62: {  	[sflag:s10] =	ssyncadd.s32 $0xFFFFE000  }
0x63: {  	[spmem:s4] =	stream.linear.scatter [tilespmem:s12], [sflag:$0x2], $0x2000, $0x38;
	[tilespmem:$0x1DA00] =	vst v63  }
0x64: {  	_ =	swait.ge [sflag:s10], $0x2000  }
0x65: {  	[sflag:s10] =	ssyncset.done $0x0  }
0x66: {  	[sflag:s10] =	ssyncadd.s32 $0xFFFFE000  }
0x67: {  	[spmem:s5] =	stream.linear.scatter [tilespmem:s12], [sflag:$0x2], $0x2000, $0x38;
	[tilespmem:$0x1DA00] =	vst v63  }
0x68: {  	_ =	swait.ge [sflag:s10], $0x2000  }
0x69: {  	[sflag:s10] =	ssyncset.done $0x0  }
0x6a: {  	[sflag:s10] =	ssyncadd.s32 $0xFFFFE000  }
0x6b: {  	[spmem:s6] =	stream.linear.scatter [tilespmem:s12], [sflag:$0x2], $0x2000, $0x38;
	[tilespmem:$0x1DA00] =	vst v63  }
0x6c: {  	_ =	swait.ge [sflag:s10], $0x2000  }
0x6d: {  	[sflag:s10] =	ssyncset.done $0x0  }
0x6e: {  	[sflag:s10] =	ssyncadd.s32 $0xFFFFE000  }
0x6f: {  	[spmem:s7] =	stream.linear.scatter [tilespmem:s12], [sflag:$0x2], $0x2000, $0x38;
	[tilespmem:$0x1DA00] =	vst v63  }
0x70: {  	_ =	swait.ge [sflag:s10], $0x2000  }
0x71: {  	[sflag:s10] =	ssyncset.done $0x0  }
0x72: {  	[sflag:s10] =	ssyncadd.s32 $0xFFFFE000  }
0x73: {  	[spmem:s8] =	stream.linear.scatter [tilespmem:s12], [sflag:$0x2], $0x2000, $0x38;
	[tilespmem:$0x1DA00] =	vst v63  }
0x74: {  	_ =	swait.ge [sflag:s10], $0x2000  }
0x75: {  	[sflag:s10] =	ssyncset.done $0x0  }
0x76: {  	[sflag:s10] =	ssyncadd.s32 $0xFFFFE000  }
0x77: {  	[spmem:s9] =	stream.linear.scatter [tilespmem:s12], [sflag:$0x2], $0x2000, $0x38;
	[tilespmem:$0x1DA00] =	vst v63  }
0x78: {  	_ =	swait.ge [sflag:s10], $0x2000  }
0x79: {  	[sflag:s10] =	ssyncset.done $0x0  }
0x7a: {  	[sflag:s10] =	ssyncadd.s32 $0xFFFFE000  }
0x7b: {  	s28 =	simm.s32 $0x0;
	s29 =	simm.s32 $0x0;
	[bflag:$0x0] =	sbarrier.arrive $0xFFFF  }
.LBB2_6:
0x7c: {  	s30 =	smul.u32 $0x50, s29;
	_ =	sdelay $0x1  }
0x7d: {  	s30 =	sadd.s32 s21, s30  }
0x7e: {  	s30 =	sshrl.u32 s30, $0x3  }
0x7f: {  	s31 =	sadd.s32 s15, s30  }
0x80: {  	[tilespmem:s14], [sflag:$0x2] =	stream.linear.gather [hbm4b:s31+s28], $0x50, $0x38;
	[tilespmem:$0x1DA00] =	vst v63  }
0x81: {  	_ =	swait.ge [sflag:s10], $0x50  }
0x82: {  	[sflag:s10] =	ssyncset.done $0x0  }
0x83: {  	s31 =	sadd.s32 s16, s30;
	[sflag:s10] =	ssyncadd.s32 $0xFFFFFFB0  }
0x84: {  	[tilespmem:s18], [sflag:$0x2] =	stream.linear.gather [hbm4b:s31+s28], $0x50, $0x38;
	[tilespmem:$0x1DA00] =	vst v63  }
0x85: {  	_ =	swait.ge [sflag:s10], $0x50  }
0x86: {  	[sflag:s10] =	ssyncset.done $0x0  }
0x87: {  	s30 =	sadd.s32 s17, s30;
	[sflag:s10] =	ssyncadd.s32 $0xFFFFFFB0  }
0x88: {  	[tilespmem:s19], [sflag:$0x2] =	stream.linear.gather [hbm4b:s30+s28], $0x50, $0x38;
	[tilespmem:$0x1DA00] =	vst v63  }
0x89: {  	_ =	swait.ge [sflag:s10], $0x50  }
0x8a: {  	[sflag:s10] =	ssyncset.done $0x0  }
0x8b: {  	[sflag:s10] =	ssyncadd.s32 $0xFFFFFFB0  }
0x8c: {  	[tilespmem:s23], [sflag:$0x1] =	stream.indirect.gather [hbm4b:s1+s22], $0x80, s18, s22, $0xb8;
	[tilespmem:$0x1DA00] =	vst v63  }
0x8d: {  	_ =	swait.ge [sflag:s24], $0x2800  }
0x8e: {  	[sflag:s24] =	ssyncset.done $0x0  }
0x8f: {  	[sflag:s24] =	ssyncadd.s32 $0xFFFFD800  }
0x90: {  	v9 =	vld [tilespmem:$0x5100];
	_ =	sdelay $0x7  }
0x91: {  	v9 =	vld.idx.msk [tilespmem:v9+s28+$0x0], $0xffff;
	_ =	sdelay $0x4  }
0x92: {  	(erf) = vrcp.f32 v9;
	_ =	sdelay $0x3  }
0x93: {  	v10 =	vld [tilespmem:$0x5110]  }
0x94: {  	v9 =	vld [tilespmem:$0x5000];
	_ =	sdelay $0x3  }
0x95: {  	v11 =	vpop (erf)  }
0x96: {  	v9 =	vmul.f32 v11, v9;
	_ =	sdelay $0x1  }
0x97: {  	[tilespmem:$0x7980] =	vst v9  }
0x98: {  	v9 =	vld.idx.msk [tilespmem:v10+s28+$0x0], $0xffff;
	_ =	sdelay $0x4  }
0x99: {  	(erf) = vrcp.f32 v9;
	_ =	sdelay $0x3  }
0x9a: {  	v10 =	vld [tilespmem:$0x5120]  }
0x9b: {  	v9 =	vld [tilespmem:$0x5010];
	_ =	sdelay $0x3  }
0x9c: {  	v11 =	vpop (erf)  }
0x9d: {  	v9 =	vmul.f32 v11, v9;
	_ =	sdelay $0x1  }
0x9e: {  	[tilespmem:$0x7990] =	vst v9  }
0x9f: {  	v9 =	vld.idx.msk [tilespmem:v10+s28+$0x0], $0xffff;
	_ =	sdelay $0x4  }
0xa0: {  	(erf) = vrcp.f32 v9;
	_ =	sdelay $0x3  }
0xa1: {  	v10 =	vld [tilespmem:$0x5130]  }
0xa2: {  	v9 =	vld [tilespmem:$0x5020];
	_ =	sdelay $0x3  }
0xa3: {  	v11 =	vpop (erf)  }
0xa4: {  	v9 =	vmul.f32 v11, v9;
	_ =	sdelay $0x1  }
0xa5: {  	[tilespmem:$0x79A0] =	vst v9  }
0xa6: {  	v9 =	vld.idx.msk [tilespmem:v10+s28+$0x0], $0xffff;
	_ =	sdelay $0x4  }
0xa7: {  	(erf) = vrcp.f32 v9;
	_ =	sdelay $0x3  }
0xa8: {  	v10 =	vld [tilespmem:$0x5140]  }
0xa9: {  	v9 =	vld [tilespmem:$0x5030];
	_ =	sdelay $0x3  }
0xaa: {  	v11 =	vpop (erf)  }
0xab: {  	v9 =	vmul.f32 v11, v9;
	_ =	sdelay $0x1  }
0xac: {  	[tilespmem:$0x79B0] =	vst v9  }
0xad: {  	v9 =	vld.idx.msk [tilespmem:v10+s28+$0x0], $0xffff;
	_ =	sdelay $0x4  }
0xae: {  	(erf) = vrcp.f32 v9;
	_ =	sdelay $0x4  }
0xaf: {  	v9 =	vld [tilespmem:$0x5040];
	_ =	sdelay $0x1  }
0xb0: {  	v10 =	vmov s28  }
0xb1: {  	v11 =	vshll.u32 v10, $0x7  }
0xb2: {  	v13 =	vor.u32 v0, v11;
	v12 =	vpop (erf)  }
0xb3: {  	v9 =	vmul.f32 v12, v9;
	_ =	sdelay $0x1  }
0xb4: {  	[tilespmem:$0x79C0] =	vst v9  }
0xb5: {  	v14 =	vld.idx.msk [tilespmem:v10+s25+$0x0], $0xffff  }
0xb6: {  	v9 =	vld.idx.msk [tilespmem:v13+s23+$0x0], $0xffff;
	_ =	sdelay $0x2  }
0xb7: {  	v10 =	vor.u32 v2, v11;
	_ =	sdelay $0x1  }
0xb8: {  	v9 =	vmul.f32 v9, v14;
	_ =	sdelay $0x1  }
0xb9: {  	[tilespmem:v13+s23+$0x0] =	vst.idx.msk $0xffff, v9  }
0xba: {  	v9 =	vld.idx.msk [tilespmem:v10+s23+$0x0], $0xffff;
	_ =	sdelay $0x2  }
0xbb: {  	v12 =	vor.u32 v3, v11;
	_ =	sdelay $0x1  }
0xbc: {  	v9 =	vmul.f32 v9, v14;
	_ =	sdelay $0x1  }
0xbd: {  	[tilespmem:v10+s23+$0x0] =	vst.idx.msk $0xffff, v9  }
0xbe: {  	v9 =	vld.idx.msk [tilespmem:v12+s23+$0x0], $0xffff;
	_ =	sdelay $0x2  }
0xbf: {  	v10 =	vor.u32 v4, v11;
	_ =	sdelay $0x1  }
0xc0: {  	v9 =	vmul.f32 v9, v14;
	_ =	sdelay $0x1  }
0xc1: {  	[tilespmem:v12+s23+$0x0] =	vst.idx.msk $0xffff, v9  }
0xc2: {  	v9 =	vld.idx.msk [tilespmem:v10+s23+$0x0], $0xffff;
	_ =	sdelay $0x2  }
0xc3: {  	v12 =	vor.u32 v5, v11;
	_ =	sdelay $0x1  }
0xc4: {  	v9 =	vmul.f32 v9, v14;
	_ =	sdelay $0x1  }
0xc5: {  	[tilespmem:v10+s23+$0x0] =	vst.idx.msk $0xffff, v9  }
0xc6: {  	v9 =	vld.idx.msk [tilespmem:v12+s23+$0x0], $0xffff;
	_ =	sdelay $0x2  }
0xc7: {  	v10 =	vor.u32 v6, v11;
	_ =	sdelay $0x1  }
0xc8: {  	v9 =	vmul.f32 v9, v14;
	_ =	sdelay $0x1  }
0xc9: {  	[tilespmem:v12+s23+$0x0] =	vst.idx.msk $0xffff, v9  }
0xca: {  	v9 =	vld.idx.msk [tilespmem:v10+s23+$0x0], $0xffff;
	_ =	sdelay $0x2  }
0xcb: {  	v12 =	vor.u32 v7, v11;
	_ =	sdelay $0x1  }
0xcc: {  	v9 =	vmul.f32 v9, v14;
	_ =	sdelay $0x1  }
0xcd: {  	[tilespmem:v10+s23+$0x0] =	vst.idx.msk $0xffff, v9  }
0xce: {  	v9 =	vld.idx.msk [tilespmem:v12+s23+$0x0], $0xffff;
	_ =	sdelay $0x2  }
0xcf: {  	v10 =	vor.u32 v8, v11;
	_ =	sdelay $0x1  }
0xd0: {  	v9 =	vmul.f32 v9, v14;
	_ =	sdelay $0x1  }
0xd1: {  	[tilespmem:v12+s23+$0x0] =	vst.idx.msk $0xffff, v9  }
0xd2: {  	v13 =	vld.idx.msk [tilespmem:v10+s23+$0x0], $0xffff  }
0xd3: {  	s30 =	simm.s32 $0x1  }
0xd4: {  	v12 =	vmov s30  }
0xd5: {  	v9 =	vshll.u32 v12, $0x7  }
0xd6: {  	v11 =	vor.u32 v0, v9  }
0xd7: {  	s30 =	simm.s32 $0x2;
	v13 =	vmul.f32 v13, v14  }
.LBB2_7:
0xd8: {  	_ = 	snop  }
0xd9: {  	p0 =	sne.s32 s30, $0x4F;
	s31 =	smov.u32 s30;
	s30 =	sadd.s32 $0x1, s30;
	[tilespmem:v10+s23+$0x0] =	vst.idx.msk $0xffff, v13  }
0xda: {  	v13 =	vld.idx.msk [tilespmem:v12+s25+$0x0], $0xffff  }
0xdb: {  	v10 =	vld.idx.msk [tilespmem:v11+s23+$0x0], $0xffff;
	_ =	sdelay $0x3  }
0xdc: {  	v12 =	vor.u32 v2, v9;
	_ =	sdelay $0x1  }
0xdd: {  	v10 =	vmul.f32 v10, v13;
	_ =	sdelay $0x1  }
0xde: {  	[tilespmem:v11+s23+$0x0] =	vst.idx.msk $0xffff, v10  }
0xdf: {  	v10 =	vld.idx.msk [tilespmem:v12+s23+$0x0], $0xffff;
	_ =	sdelay $0x3  }
0xe0: {  	v11 =	vor.u32 v3, v9;
	_ =	sdelay $0x1  }
0xe1: {  	v10 =	vmul.f32 v10, v13;
	_ =	sdelay $0x1  }
0xe2: {  	[tilespmem:v12+s23+$0x0] =	vst.idx.msk $0xffff, v10  }
0xe3: {  	v10 =	vld.idx.msk [tilespmem:v11+s23+$0x0], $0xffff;
	_ =	sdelay $0x3  }
0xe4: {  	v12 =	vor.u32 v4, v9;
	_ =	sdelay $0x1  }
0xe5: {  	v10 =	vmul.f32 v10, v13;
	_ =	sdelay $0x1  }
0xe6: {  	[tilespmem:v11+s23+$0x0] =	vst.idx.msk $0xffff, v10  }
0xe7: {  	v10 =	vld.idx.msk [tilespmem:v12+s23+$0x0], $0xffff;
	_ =	sdelay $0x3  }
0xe8: {  	v11 =	vor.u32 v5, v9;
	_ =	sdelay $0x1  }
0xe9: {  	v10 =	vmul.f32 v10, v13;
	_ =	sdelay $0x1  }
0xea: {  	[tilespmem:v12+s23+$0x0] =	vst.idx.msk $0xffff, v10  }
0xeb: {  	v10 =	vld.idx.msk [tilespmem:v11+s23+$0x0], $0xffff;
	_ =	sdelay $0x3  }
0xec: {  	v12 =	vor.u32 v6, v9;
	_ =	sdelay $0x1  }
0xed: {  	v10 =	vmul.f32 v10, v13;
	_ =	sdelay $0x1  }
0xee: {  	[tilespmem:v11+s23+$0x0] =	vst.idx.msk $0xffff, v10  }
0xef: {  	v10 =	vld.idx.msk [tilespmem:v12+s23+$0x0], $0xffff;
	_ =	sdelay $0x3  }
0xf0: {  	v11 =	vor.u32 v7, v9;
	_ =	sdelay $0x1  }
0xf1: {  	v10 =	vmul.f32 v10, v13;
	_ =	sdelay $0x1  }
0xf2: {  	[tilespmem:v12+s23+$0x0] =	vst.idx.msk $0xffff, v10  }
0xf3: {  	v12 =	vld.idx.msk [tilespmem:v11+s23+$0x0], $0xffff;
	_ =	sdelay $0x3  }
0xf4: {  	v10 =	vor.u32 v8, v9;
	_ =	sdelay $0x1  }
0xf5: {  	v9 =	vmul.f32 v12, v13;
	_ =	sdelay $0x1  }
0xf6: {  	[tilespmem:v11+s23+$0x0] =	vst.idx.msk $0xffff, v9  }
0xf7: {  	v14 =	vld.idx.msk [tilespmem:v10+s23+$0x0], $0xffff;
	_ =	sdelay $0x1  }
.Ltmp2:
0xf8: {  	(pc) =	sbr.rel @p0 .LBB2_7-.Ltmp2, $4  }
0xf9: {  	v12 =	vmov s31  }
0xfa: {  	v9 =	vshll.u32 v12, $0x7  }
0xfb: {  	v11 =	vor.u32 v0, v9  }
0xfc: {  	v13 =	vmul.f32 v14, v13  }
0xfd: {  	_ =	sdelay $0x3  }
0xfe: {  	[tilespmem:v10+s23+$0x0] =	vst.idx.msk $0xffff, v13  }
0xff: {  	v10 =	vld.idx.msk [tilespmem:v12+s25+$0x0], $0xffff  }
0x100: {  	v57 =	vld.idx.msk [tilespmem:v11+s23+$0x0], $0xffff;
	_ =	sdelay $0x2  }
0x101: {  	v58 =	vor.u32 v2, v9;
	_ =	sdelay $0x1  }
0x102: {  	v12 =	vmul.f32 v57, v10;
	_ =	sdelay $0x1  }
0x103: {  	[tilespmem:v11+s23+$0x0] =	vst.idx.msk $0xffff, v12  }
0x104: {  	v11 =	vld.idx.msk [tilespmem:v58+s23+$0x0], $0xffff;
	_ =	sdelay $0x2  }
0x105: {  	v59 =	vor.u32 v3, v9;
	_ =	sdelay $0x1  }
0x106: {  	v11 =	vmul.f32 v11, v10;
	_ =	sdelay $0x1  }
0x107: {  	[tilespmem:v58+s23+$0x0] =	vst.idx.msk $0xffff, v11  }
0x108: {  	v11 =	vld.idx.msk [tilespmem:v59+s23+$0x0], $0xffff;
	_ =	sdelay $0x2  }
0x109: {  	v60 =	vor.u32 v4, v9;
	_ =	sdelay $0x1  }
0x10a: {  	v11 =	vmul.f32 v11, v10;
	_ =	sdelay $0x1  }
0x10b: {  	[tilespmem:v59+s23+$0x0] =	vst.idx.msk $0xffff, v11  }
0x10c: {  	v11 =	vld.idx.msk [tilespmem:v60+s23+$0x0], $0xffff;
	_ =	sdelay $0x2  }
0x10d: {  	v61 =	vor.u32 v5, v9;
	_ =	sdelay $0x1  }
0x10e: {  	v11 =	vmul.f32 v11, v10;
	_ =	sdelay $0x1  }
0x10f: {  	[tilespmem:v60+s23+$0x0] =	vst.idx.msk $0xffff, v11  }
0x110: {  	v11 =	vld.idx.msk [tilespmem:v61+s23+$0x0], $0xffff;
	_ =	sdelay $0x2  }
0x111: {  	v62 =	vor.u32 v6, v9;
	_ =	sdelay $0x1  }
0x112: {  	v11 =	vmul.f32 v11, v10;
	_ =	sdelay $0x1  }
0x113: {  	[tilespmem:v61+s23+$0x0] =	vst.idx.msk $0xffff, v11  }
0x114: {  	v11 =	vld.idx.msk [tilespmem:v62+s23+$0x0], $0xffff;
	_ =	sdelay $0x2  }
0x115: {  	v63 =	vor.u32 v7, v9;
	_ =	sdelay $0x1  }
0x116: {  	v11 =	vmul.f32 v11, v10;
	_ =	sdelay $0x1  }
0x117: {  	[tilespmem:v62+s23+$0x0] =	vst.idx.msk $0xffff, v11  }
0x118: {  	v11 =	vld.idx.msk [tilespmem:v63+s23+$0x0], $0xffff;
	_ =	sdelay $0x2  }
0x119: {  	v9 =	vor.u32 v8, v9;
	_ =	sdelay $0x1  }
0x11a: {  	v11 =	vmul.f32 v11, v10;
	_ =	sdelay $0x1  }
0x11b: {  	[tilespmem:v63+s23+$0x0] =	vst.idx.msk $0xffff, v11  }
0x11c: {  	v11 =	vld.idx.msk [tilespmem:v9+s23+$0x0], $0xffff;
	_ =	sdelay $0x4  }
0x11d: {  	s29 =	sadd.s32 $0x1, s29;
	v10 =	vmul.f32 v11, v10  }
0x11e: {  	p0 =	sne.s32 s29, $0x7D  }
.Ltmp3:
0x11f: {  	[tilespmem:v9+s23+$0x0] =	vst.idx.msk $0xffff, v10;
	(pc) =	sbr.rel @p0 .LBB2_6-.Ltmp3, $4  }
0x120: {  	[spmem:s13] =	stream.indirect.scatter.add.f32 [tilespmem:s23], [sflag:$0x2], $0x80, s14, s22, $0xb8;
	[tilespmem:$0x1DA00] =	vst v63  }
0x121: {  	_ =	swait.ge [sflag:s10], $0x2800  }
0x122: {  	[sflag:s10] =	ssyncset.done $0x0  }
0x123: {  	[sflag:s10] =	ssyncadd.s32 $0xFFFFD800  }
0x124: {  	s28 =	stileid.u32  }
0x125: {  	[bflag:$0x0] =	sbarrier.arrive $0xFFFF;
	s28 =	sshll.u32 s28, $0x6  }
0x126: {  	s29 =	sshrl.u32 s20, $0x3;
	s30 =	rddreg [dreg:$0x4];
	s28 =	sor.u32 $0x1C02, s28  }
0x127: {  	[hbm:s30], [sflag:s28] =	dma.local [spmem:s29], $0x400  }
0x128: {  	_ =	swait.ge [sflag:s10], $0x400  }
0x129: {  	[sflag:s10] =	ssyncset.done $0x0;
	s29 =	rddreg [dreg:$0x5]  }
0x12a: {  	s31 =	rddreg [dreg:$0x11];
	[sflag:s10] =	ssyncadd.s32 $0xFFFFFC00  }
0x12b: {  	[hbm:s29], [sflag:s28] =	dma.local [spmem:s31], $0x400  }
0x12c: {  	_ =	swait.ge [sflag:s10], $0x400  }
0x12d: {  	[sflag:s10] =	ssyncset.done $0x0;
	s29 =	rddreg [dreg:$0x6]  }
0x12e: {  	s31 =	rddreg [dreg:$0x12];
	[sflag:s10] =	ssyncadd.s32 $0xFFFFFC00  }
0x12f: {  	[hbm:s29], [sflag:s28] =	dma.local [spmem:s31], $0x400  }
0x130: {  	_ =	swait.ge [sflag:s10], $0x400  }
0x131: {  	[sflag:s10] =	ssyncset.done $0x0;
	s29 =	rddreg [dreg:$0x7]  }
0x132: {  	s31 =	rddreg [dreg:$0x13];
	[sflag:s10] =	ssyncadd.s32 $0xFFFFFC00  }
0x133: {  	[hbm:s29], [sflag:s28] =	dma.local [spmem:s31], $0x400  }
0x134: {  	_ =	swait.ge [sflag:s10], $0x400  }
0x135: {  	[sflag:s10] =	ssyncset.done $0x0;
	s29 =	rddreg [dreg:$0x8]  }
0x136: {  	s31 =	rddreg [dreg:$0x14];
	[sflag:s10] =	ssyncadd.s32 $0xFFFFFC00  }
0x137: {  	[hbm:s29], [sflag:s28] =	dma.local [spmem:s31], $0x400  }
0x138: {  	_ =	swait.ge [sflag:s10], $0x400  }
0x139: {  	[sflag:s10] =	ssyncset.done $0x0;
	s29 =	rddreg [dreg:$0x9]  }
0x13a: {  	s31 =	rddreg [dreg:$0x15];
	[sflag:s10] =	ssyncadd.s32 $0xFFFFFC00  }
0x13b: {  	[hbm:s29], [sflag:s28] =	dma.local [spmem:s31], $0x400  }
0x13c: {  	_ =	swait.ge [sflag:s10], $0x400  }
0x13d: {  	[sflag:s10] =	ssyncset.done $0x0;
	s29 =	rddreg [dreg:$0xa]  }
0x13e: {  	s31 =	rddreg [dreg:$0x16];
	[sflag:s10] =	ssyncadd.s32 $0xFFFFFC00  }
0x13f: {  	[hbm:s29], [sflag:s28] =	dma.local [spmem:s31], $0x400  }
0x140: {  	_ =	swait.ge [sflag:s10], $0x400  }
0x141: {  	[sflag:s10] =	ssyncset.done $0x0;
	s29 =	rddreg [dreg:$0xb]  }
0x142: {  	s31 =	rddreg [dreg:$0x17];
	[sflag:s10] =	ssyncadd.s32 $0xFFFFFC00  }
0x143: {  	[hbm:s29], [sflag:s28] =	dma.local [spmem:s31], $0x400  }
0x144: {  	_ =	swait.ge [sflag:s10], $0x400  }
0x145: {  	[sflag:s10] =	ssyncset.done $0x0;
	s29 =	rddreg [dreg:$0xc]  }
0x146: {  	s31 =	rddreg [dreg:$0x18];
	[sflag:s10] =	ssyncadd.s32 $0xFFFFFC00  }
0x147: {  	[hbm:s29], [sflag:s28] =	dma.local [spmem:s31], $0x400  }
0x148: {  	_ =	swait.ge [sflag:s10], $0x400  }
0x149: {  	[sflag:s10] =	ssyncset.done $0x0  }
0x14a: {  	s30 =	rddreg [dreg:$0xd];
	[sflag:s10] =	ssyncadd.s32 $0xFFFFFC00  }
0x14b: {  	[hbm:s30], [sflag:s28] =	dma.local [spmem:s11], $0x400  }
0x14c: {  	_ =	swait.ge [sflag:s10], $0x400  }
0x14d: {  	s26 =	sadd.s32 $0x1, s26;
	s31 =	rddreg [dreg:$0x10]  }
0x14e: {  	p0 =	sne.s32 s26, s31  }
.Ltmp4:
0x14f: {  	_ = 	snop;
	(pc) =	sbr.rel @p0 .LBB2_1-.Ltmp4, $3  }
0x150: {  	_ =	sdelay $0x1  }
0x151: {  	[sflag:s10] =	ssyncset.done $0x0  }
0x152: {  	[sflag:s10] =	ssyncadd.s32 $0xFFFFFC00  }
0x153: {  	_ =	sfence.sel $0x180000  }
0x154: {  	[bflag:$0x0] =	sbarrier.arrive $0xFFFF  }
0x155: {  	_ =	strace $0x9000004A  }
0x156: {  	s0 =	stileid.u32;
	[bflag:$0x2] =	sbarrier.arrive $0xFFFF  }
0x157: {  	p0 =	sne.s32 s0, $0x0;
	s0 =	rddreg [dreg:$0x3]  }
0x158: {  	s0 =	sadd.s32 @!p0 $0x100000, s0  }
0x159: {  	[sflag:s0] =	ssyncadd.tile.s32 @!p0 $0x1;
	_ =	shalt  }
.Lfunc_end2:
_tile_overlayer_lowered:
.L_overlay_start_2:
0x15a: {  	(tag) =	ssettag $0x2  }
0x15b: {  	s0 =	rddreg [dreg:$0x0];
	s2 =	stileid.u32  }
0x15c: {  	s1 =	rddreg [dreg:$0x1];
	p0 =	sne.s32 s2, $0x0  }
0x15d: {  	s3 =	rddreg [dreg:$0x2];
	[bflag:$0x3] =	sbarrier.arrive $0xFFFF;
	s2 =	simm.s32 @!p0 $0x1C02  }
0x15e: {  	[timem:s3], [sflag:s2] =	dma.local @!p0 [hbm:s0], s1  }
0x15f: {  	s0 =	simm.s32 @!p0 $0x2  }
0x160: {  	_ =	swait.ge @!p0 [sflag:s0], s1  }
0x161: {  	s1 =	ssub.s32 @!p0 $0x0, s1;
	[sflag:s0] =	ssyncset.done @!p0 $0x0  }
0x162: {  	[sflag:s0] =	ssyncadd.s32 @!p0 s1  }
0x163: {  	[bflag:$0x3] =	sbarrier.arrive $0xFFFF  }
0x164: {  	_ =	shalt  }

</sc_bundles>
